<compile_context>
chip_gen: v7x
topology: tpu7x:2x2x1
jax: 0.10.2.dev20260603
libtpu: 0.0.44.dev20260713+nightly
codegen_flags: <defaults>
</compile_context>

<pallas_src>
import functools

import jax
import jax.numpy as jnp
from jax import lax
from jax.experimental import pallas as pl
from jax.experimental.pallas import tpu as pltpu
from jax.experimental.pallas import tpu_sc as plsc

WN = 8
N = 8192
D = 256
KD = 4096
K = 8192
RB = 256
IB = RB // WN
NBLK = N // RB
RA = 512



def _map_body(cb_ref, wt_ref, b_ref, mc_ref, cc_ref, mct2_ref):
    cbb = cb_ref[...].astype(jnp.bfloat16)
    dot = jnp.dot(cbb, wt_ref[...], preferred_element_type=jnp.float32)
    mc = dot + b_ref[...]
    mc_ref[...] = mc
    cc_ref[...] = jnp.sum(mc * mc, axis=1, keepdims=True)
    mct2_ref[...] = (mc.astype(jnp.bfloat16) * jnp.bfloat16(-2)).T


def _mapped_codebook(cb, wt_bf, b2, interpret=False):
    return pl.pallas_call(
        _map_body,
        grid=(K // RA,),
        in_specs=[
            pl.BlockSpec((RA, KD), lambda g: (g, 0)),
            pl.BlockSpec((KD, D), lambda g: (0, 0)),
            pl.BlockSpec((1, D), lambda g: (0, 0)),
        ],
        out_specs=[
            pl.BlockSpec((RA, D), lambda g: (g, 0)),
            pl.BlockSpec((RA, 1), lambda g: (g, 0)),
            pl.BlockSpec((D, RA), lambda g: (0, g)),
        ],
        out_shape=[
            jax.ShapeDtypeStruct((K, D), jnp.float32),
            jax.ShapeDtypeStruct((K, 1), jnp.float32),
            jax.ShapeDtypeStruct((D, K), jnp.bfloat16),
        ],
        interpret=interpret,
    )(cb, wt_bf, b2)



def _assemble(z_half, mct_ref, cc_ref, s_ref):
    zf = z_half.reshape(IB, WN, D).swapaxes(0, 1).reshape(RB, D)
    zz = jnp.sum(zf * zf, axis=1, keepdims=True)
    zbf = zf.astype(jnp.bfloat16)
    dot2 = jnp.dot(zbf, mct_ref[...], preferred_element_type=jnp.float32)
    s_ref[...] = (zz + cc_ref[...]) + dot2


def _selection(s_ref, forb_ref, idx_ref, half):
    iota = lax.broadcasted_iota(jnp.int32, (IB, K), 1)
    for w in range(WN):
        sub = s_ref[pl.ds(w * IB, IB), :]
        if w > 0:
            sub = sub + forb_ref[...]
        am = jnp.argmin(sub, axis=1).astype(jnp.int32)[:, None]
        idx_ref[pl.ds(half * IB, IB), pl.ds(w, 1)] = am
        if w == 0:
            forb_ref[...] = jnp.where(iota == am, jnp.float32(jnp.inf),
                                      jnp.float32(0))
        elif w < WN - 1:
            forb_ref[...] = jnp.where(iota == am, jnp.float32(jnp.inf),
                                      forb_ref[...])


def _select_body(z_ref, mct_ref, cc_ref, idx_ref, s0_ref, s1_ref, forb_ref):
    _assemble(z_ref[pl.ds(0, RB), :], mct_ref, cc_ref, s0_ref)
    _selection(s1_ref, forb_ref, idx_ref, 0)
    _assemble(z_ref[pl.ds(RB, RB), :], mct_ref, cc_ref, s1_ref)
    _selection(s0_ref, forb_ref, idx_ref, 1)


def _distance_select(z_w, mct_bf, cc_row, blk0, nblk, interpret=False):
    steps = nblk // 2
    grid_n = steps + 1
    out = pl.pallas_call(
        _select_body,
        grid=(grid_n,),
        in_specs=[
            pl.BlockSpec((2 * RB, D),
                         lambda g: (blk0 // 2 + jnp.minimum(g, steps - 1), 0)),
            pl.BlockSpec((D, K), lambda g: (0, 0)),
            pl.BlockSpec((1, K), lambda g: (0, 0)),
        ],
        out_specs=pl.BlockSpec((2 * IB, WN), lambda g: (g, 0)),
        out_shape=jax.ShapeDtypeStruct((grid_n * 2 * IB, WN), jnp.int32),
        scratch_shapes=[
            pltpu.VMEM((RB, K), jnp.float32),
            pltpu.VMEM((RB, K), jnp.float32),
            pltpu.VMEM((IB, K), jnp.float32),
        ],
        interpret=interpret,
    )(z_w, mct_bf, cc_row)
    return out[IB:IB + nblk * IB]



def _gather_sc(mc, idx):
    n_rows = idx.shape[0]
    info = plsc.get_sparse_core_info()
    nw = info.num_cores * info.num_subcores
    b_per_w = n_rows // nw
    mesh = plsc.VectorSubcoreMesh(core_axis_name="c", subcore_axis_name="s")

    @functools.partial(
        pl.kernel, mesh=mesh,
        out_type=jax.ShapeDtypeStruct((n_rows, D), jnp.float32),
        scratch_types=[
            pltpu.VMEM((b_per_w,), jnp.int32),
            pltpu.VMEM((b_per_w, D), jnp.float32),
            pltpu.SemaphoreType.DMA,
        ],
    )
    def k(table_hbm, idx_hbm, out_hbm, idx_v, rows_v, sem):
        wid = lax.axis_index("s") * info.num_cores + lax.axis_index("c")
        base = wid * b_per_w
        pltpu.sync_copy(idx_hbm.at[pl.ds(base, b_per_w)], idx_v)
        pltpu.async_copy(table_hbm.at[idx_v], rows_v, sem).wait()
        pltpu.sync_copy(rows_v, out_hbm.at[pl.ds(base, b_per_w)])

    return k(mc, idx)



_RD = 1024


def _final_body(z_ref, q_ref, zst_ref, part_ref):
    z = z_ref[...]
    q = q_ref[...]
    d = q - z
    zst_ref[...] = z + d
    part_ref[...] = jnp.sum(d * d, axis=0, keepdims=True)[None]


def _finalize(z_e, z_q, interpret=False):
    return pl.pallas_call(
        _final_body,
        grid=(N // _RD,),
        in_specs=[
            pl.BlockSpec((_RD, D), lambda g: (g, 0)),
            pl.BlockSpec((_RD, D), lambda g: (g, 0)),
        ],
        out_specs=[
            pl.BlockSpec((_RD, D), lambda g: (g, 0)),
            pl.BlockSpec((1, 1, D), lambda g: (g, 0, 0)),
        ],
        out_shape=[
            jax.ShapeDtypeStruct((N, D), jnp.float32),
            jax.ShapeDtypeStruct((N // _RD, 1, D), jnp.float32),
        ],
        interpret=interpret,
    )(z_e, z_q)


def kernel(z_e, codebook_tensor_pca, W, b):
    wt_bf = W.T.astype(jnp.bfloat16)
    b2 = b.reshape(1, D)

    mc, cc, mct2 = _mapped_codebook(codebook_tensor_pca, wt_bf, b2)
    cc_row = cc.reshape(1, K)

    idx = _distance_select(z_e, mct2, cc_row, 0, NBLK).reshape(N)
    z_q = _gather_sc(mc, idx)
    z_q_st, parts = _finalize(z_e, z_q)
    tot = jnp.sum(parts)
    vq = tot / jnp.float32(N * D)
    loss = 0.75 * vq + 0.25 * vq
    return (z_q_st, loss)

# --- scband reference (transcript-rebuilt; emitter-appended) ---
"""Pipeline reference for scband-quantizer-4922032521815 (READ-ONLY COPY).

The authoritative reference and input builder live on the scoring server;
editing this copy changes nothing except your own understanding.
"""

import jax, jax.numpy as jnp
import numpy as np

WORD_NUM = 8

def setup_inputs(seed: int = 0) -> dict:
    key = jax.random.key(seed)
    k1, k2, k3, k4 = jax.random.split(key, 4)
    z_e = jax.random.normal(k1, (8192, 256), dtype=jnp.float32)
    codebook_tensor_pca = jax.random.normal(k2, (8192, 4096), dtype=jnp.float32)
    W = jax.random.normal(k3, (256, 4096), dtype=jnp.float32) * 0.02
    b = jax.random.normal(k4, (256,), dtype=jnp.float32) * 0.02
    return {"z_e": z_e, "codebook_tensor_pca": codebook_tensor_pca, "W": W, "b": b}

def reference(z_e, codebook_tensor_pca, W, b):
    # codebook_mapping: Linear(emb_dim -> codebook_dim)
    mapped_codebook = codebook_tensor_pca @ W.T + b  # [K, codebook_dim]
    # squared L2 distance matrix [N, K]
    dist_matrix = (jnp.sum(z_e ** 2, axis=1, keepdims=True)
                   + jnp.sum(mapped_codebook ** 2, axis=1)
                   - 2.0 * (z_e @ mapped_codebook.T))
    K = mapped_codebook.shape[0]
    dist_matrix = dist_matrix.reshape(-1, WORD_NUM, K)
    idx_cols = []
    for i in range(WORD_NUM):
        idx = jnp.argmin(dist_matrix[:, i, :], axis=1)  # [B]
        # exclude chosen code for all word positions of this item
        mask = jax.nn.one_hot(idx, K, dtype=bool)  # [B, K]
        dist_matrix = jnp.where(mask[:, None, :], jnp.inf, dist_matrix)
        idx_cols.append(idx[:, None])
    min_dist_indices = jnp.concatenate(idx_cols, axis=1).reshape(-1)  # [B*WORD_NUM]
    z_q = jnp.take(mapped_codebook, min_dist_indices, axis=0)
    z_q_st = z_e + jax.lax.stop_gradient(z_q - z_e)
    vq_loss = jnp.mean((z_q - jax.lax.stop_gradient(z_e)) ** 2)
    commitment_loss = jnp.mean((z_e - jax.lax.stop_gradient(z_q)) ** 2)
    return (z_q_st, 0.75 * vq_loss + 0.25 * commitment_loss)

if __name__ == "__main__":
    import jax
    _d = setup_inputs()
    print(jax.jit(kernel)(*tuple(_d.values())))

</pallas_src>

<mosaic_0001>
#map = affine_map<(d0, d1) -> (0, 0)>
#map1 = affine_map<(d0, d1) -> (0)>
module attributes {stable_mosaic.version = 14 : i64} {
  func.func @k(%arg0: i32, %arg1: i32, %arg2: memref<8192x256xf32, #tpu.memory_space<hbm>>, %arg3: memref<8192xi32, #tpu.memory_space<hbm>>, %arg4: memref<8192x256xf32, #tpu.memory_space<hbm>>, %arg5: memref<256xi32, #tpu.memory_space<vmem>>, %arg6: memref<256x256xf32, #tpu.memory_space<vmem>>, %arg7: memref<!tpu.dma_semaphore, #tpu.memory_space<semaphore_mem>>) attributes {dimension_semantics = [#tpu.dimension_semantics<core_parallel>, #tpu.dimension_semantics<subcore_parallel>], iteration_bounds = array<i64: 2, 16>, scalar_prefetch = 0 : i64, scratch_operands = 3 : i64, tpu.core_type = #tpu.core_type<sc_vector_subcore>, window_params = [{transform_indices = #map}, {transform_indices = #map1}, {transform_indices = #map}]} {
    %mul3A = arith.constant 2 : i32
    %mul3A_0 = arith.muli %arg1, %mul3A : i32
    %add3A = arith.addi %mul3A_0, %arg0 : i32
    %mul3A_1 = arith.constant 256 : i32
    %mul3A_2 = arith.muli %add3A, %mul3A_1 : i32
    "tpu.region"() ({
      %run_scoped3A = tpu.sem_alloc : memref<!tpu.dma_semaphore, #tpu.memory_space<semaphore_mem>>
      %dma_start3A_7 = tpu.memref_slice %arg3[%mul3A_2] : memref<8192xi32, #tpu.memory_space<hbm>> -> memref<256xi32, #tpu.memory_space<hbm>>
      %dma_start3A_8 = tpu.memref_slice %arg3[%mul3A_2] : memref<8192xi32, #tpu.memory_space<hbm>> -> memref<256xi32, #tpu.memory_space<hbm>>
      tpu.enqueue_dma source(%dma_start3A_8 : memref<256xi32, #tpu.memory_space<hbm>>) target(%arg5 : memref<256xi32, #tpu.memory_space<vmem>>) target_semaphore(%run_scoped3A : memref<!tpu.dma_semaphore, #tpu.memory_space<semaphore_mem>>)
      %dma_wait3A_9 = tpu.memref_slice %arg3[%mul3A_2] : memref<8192xi32, #tpu.memory_space<hbm>> -> memref<256xi32, #tpu.memory_space<hbm>>
      %dma_wait3A_10 = tpu.memref_slice %arg3[%mul3A_2] : memref<8192xi32, #tpu.memory_space<hbm>> -> memref<256xi32, #tpu.memory_space<hbm>>
      tpu.wait_dma2 semaphore(%run_scoped3A : memref<!tpu.dma_semaphore, #tpu.memory_space<semaphore_mem>>) src(%dma_wait3A_10 : memref<256xi32, #tpu.memory_space<hbm>>) dst(%arg5 : memref<256xi32, #tpu.memory_space<vmem>>)
      tpu.yield
    }) : () -> ()
    %dma_start3A = arith.constant 0 : i32
    %dma_start3A_3 = arith.constant 0 : i32
    %dma_start3A_4 = tpu.memref_slice %arg2[%dma_start3A, %dma_start3A_3] : memref<8192x256xf32, #tpu.memory_space<hbm>> -> memref<8192x256xf32, #tpu.memory_space<hbm>>
    tpu.enqueue_indirect_dma source(%dma_start3A_4 : memref<8192x256xf32, #tpu.memory_space<hbm>>) target(%arg6 : memref<256x256xf32, #tpu.memory_space<vmem>>) offsets(%arg5 : memref<256xi32, #tpu.memory_space<vmem>>) semaphore(%arg7 : memref<!tpu.dma_semaphore, #tpu.memory_space<semaphore_mem>>)
    %dma_wait3A = arith.constant 0 : i32
    %dma_wait3A_5 = arith.constant 0 : i32
    %dma_wait3A_6 = tpu.memref_slice %arg2[%dma_wait3A, %dma_wait3A_5] : memref<8192x256xf32, #tpu.memory_space<hbm>> -> memref<8192x256xf32, #tpu.memory_space<hbm>>
    tpu.wait_indirect_dma semaphore(%arg7 : memref<!tpu.dma_semaphore, #tpu.memory_space<semaphore_mem>>) src(%dma_wait3A_6 : memref<8192x256xf32, #tpu.memory_space<hbm>>) dst(%arg6 : memref<256x256xf32, #tpu.memory_space<vmem>>)
    "tpu.region"() ({
      %run_scoped3A = tpu.sem_alloc : memref<!tpu.dma_semaphore, #tpu.memory_space<semaphore_mem>>
      %dma_start3A_7 = arith.constant 0 : i32
      %dma_start3A_8 = tpu.memref_slice %arg4[%mul3A_2, %dma_start3A_7] : memref<8192x256xf32, #tpu.memory_space<hbm>> -> memref<256x256xf32, #tpu.memory_space<hbm>>
      %dma_start3A_9 = arith.constant 0 : i32
      %dma_start3A_10 = tpu.memref_slice %arg4[%mul3A_2, %dma_start3A_9] : memref<8192x256xf32, #tpu.memory_space<hbm>> -> memref<256x256xf32, #tpu.memory_space<hbm>>
      tpu.enqueue_dma source(%arg6 : memref<256x256xf32, #tpu.memory_space<vmem>>) target(%dma_start3A_10 : memref<256x256xf32, #tpu.memory_space<hbm>>) target_semaphore(%run_scoped3A : memref<!tpu.dma_semaphore, #tpu.memory_space<semaphore_mem>>)
      %dma_wait3A_11 = arith.constant 0 : i32
      %dma_wait3A_12 = tpu.memref_slice %arg4[%mul3A_2, %dma_wait3A_11] : memref<8192x256xf32, #tpu.memory_space<hbm>> -> memref<256x256xf32, #tpu.memory_space<hbm>>
      %dma_wait3A_13 = arith.constant 0 : i32
      %dma_wait3A_14 = tpu.memref_slice %arg4[%mul3A_2, %dma_wait3A_13] : memref<8192x256xf32, #tpu.memory_space<hbm>> -> memref<256x256xf32, #tpu.memory_space<hbm>>
      tpu.wait_dma2 semaphore(%run_scoped3A : memref<!tpu.dma_semaphore, #tpu.memory_space<semaphore_mem>>) src(%arg6 : memref<256x256xf32, #tpu.memory_space<vmem>>) dst(%dma_wait3A_14 : memref<256x256xf32, #tpu.memory_space<hbm>>)
      tpu.yield
    }) : () -> ()
    return
  }
}

module attributes {stable_mosaic.version = 14 : i64} {
  func.func @_map_body(%arg0: i32, %arg1: memref<512x4096xf32, #tpu.memory_space<vmem>>, %arg2: memref<4096x256xbf16, #tpu.memory_space<vmem>>, %arg3: memref<1x256xf32, #tpu.memory_space<vmem>>, %arg4: memref<512x256xf32, #tpu.memory_space<vmem>>, %arg5: memref<512x1xf32, #tpu.memory_space<vmem>>, %arg6: memref<256x512xbf16, #tpu.memory_space<vmem>>) attributes {dimension_semantics = [#tpu.dimension_semantics<arbitrary>], iteration_bounds = array<i64: 16>, scalar_prefetch = 0 : i64, scratch_operands = 0 : i64, tpu.core_type = #tpu.core_type<tc>, window_params = [{transform_indices = @transform_0, window_bounds = array<i64: 512, 4096>}, {pipeline_mode = #tpu.pipeline_mode<synchronous>, transform_indices = @transform_1, window_bounds = array<i64: 4096, 256>}, {pipeline_mode = #tpu.pipeline_mode<synchronous>, transform_indices = @transform_2, window_bounds = array<i64: 1, 256>}, {transform_indices = @transform_3, window_bounds = array<i64: 512, 256>}, {transform_indices = @transform_4, window_bounds = array<i64: 512, 1>}, {transform_indices = @transform_5, window_bounds = array<i64: 256, 512>}]} {
    %get3A = arith.constant 0 : index
    %get3A_0 = arith.constant 0 : index
    %get3A_1 = vector.load %arg1[%get3A, %get3A_0] : memref<512x4096xf32, #tpu.memory_space<vmem>>, vector<512x4096xf32>
    %convert_element_type3A = arith.truncf %get3A_1 : vector<512x4096xf32> to vector<512x4096xbf16>
    %get3A_2 = arith.constant 0 : index
    %get3A_3 = arith.constant 0 : index
    %get3A_4 = vector.load %arg2[%get3A_2, %get3A_3] : memref<4096x256xbf16, #tpu.memory_space<vmem>>, vector<4096x256xbf16>
    %dot_general3A = arith.constant dense<0.000000e+00> : vector<512x256xf32>
    %dot_general3A_5 = tpu.matmul %convert_element_type3A, %get3A_4, %dot_general3A {dimension_numbers = #tpu.dot_dimension_numbers<[1], [0], [0], [1], [0, 0, 1, 1], [], []>, transpose_lhs_hint = false} : vector<512x4096xbf16>, vector<4096x256xbf16>, vector<512x256xf32> -> vector<512x256xf32>
    %get3A_6 = arith.constant 0 : index
    %get3A_7 = arith.constant 0 : index
    %get3A_8 = vector.load %arg3[%get3A_6, %get3A_7] : memref<1x256xf32, #tpu.memory_space<vmem>>, vector<1x256xf32>
    %add3A = vector.broadcast %get3A_8 : vector<1x256xf32> to vector<512x256xf32>
    %add3A_9 = arith.addf %dot_general3A_5, %add3A : vector<512x256xf32>
    %swap3A = arith.constant 0 : index
    %swap3A_10 = arith.constant 0 : index
    %swap3A_11 = vector.load %arg4[%swap3A, %swap3A_10] : memref<512x256xf32, #tpu.memory_space<vmem>>, vector<512x256xf32>
    tpu.vector_store %arg4[%swap3A, %swap3A_10], %add3A_9 {strides = array<i32>} : memref<512x256xf32, #tpu.memory_space<vmem>>, vector<512x256xf32>,
    %mul3A = arith.mulf %add3A_9, %add3A_9 : vector<512x256xf32>
    %reduce_sum3A = arith.constant dense<0.000000e+00> : vector<512xf32>
    %reduce_sum3A_12 = vector.multi_reduction <add>, %mul3A, %reduce_sum3A [1] : vector<512x256xf32> to vector<512xf32>
    %broadcast_in_dim3A = vector.shape_cast %reduce_sum3A_12 : vector<512xf32> to vector<512x1xf32>
    %swap3A_13 = arith.constant 0 : index
    %swap3A_14 = arith.constant 0 : index
    %swap3A_15 = vector.load %arg5[%swap3A_13, %swap3A_14] : memref<512x1xf32, #tpu.memory_space<vmem>>, vector<512x1xf32>
    tpu.vector_store %arg5[%swap3A_13, %swap3A_14], %broadcast_in_dim3A {strides = array<i32>} : memref<512x1xf32, #tpu.memory_space<vmem>>, vector<512x1xf32>,
    %convert_element_type3A_16 = arith.truncf %add3A_9 : vector<512x256xf32> to vector<512x256xbf16>
    %mul3A_17 = arith.constant -2.000000e+00 : bf16
    %mul3A_18 = vector.broadcast %mul3A_17 : bf16 to vector<512x256xbf16>
    %mul3A_19 = arith.mulf %convert_element_type3A_16, %mul3A_18 : vector<512x256xbf16>
    %transpose3A = tpu.transpose %mul3A_19, [1, 0] : vector<512x256xbf16> -> vector<256x512xbf16>
    %swap3A_20 = arith.constant 0 : index
    %swap3A_21 = arith.constant 0 : index
    %swap3A_22 = vector.load %arg6[%swap3A_20, %swap3A_21] : memref<256x512xbf16, #tpu.memory_space<vmem>>, vector<256x512xbf16>
    tpu.vector_store %arg6[%swap3A_20, %swap3A_21], %transpose3A {strides = array<i32>} : memref<256x512xbf16, #tpu.memory_space<vmem>>, vector<256x512xbf16>,
    return
  }
  func.func @transform_0(%arg0: i32) -> (i32, i32) {
    %c0_i32 = arith.constant 0 : i32
    %c0_i32_0 = arith.constant 0 : i32
    return %arg0, %c0_i32 : i32, i32
  }
  func.func @transform_1(%arg0: i32) -> (i32, i32) {
    %c0_i32 = arith.constant 0 : i32
    %c0_i32_0 = arith.constant 0 : i32
    %c0_i32_1 = arith.constant 0 : i32
    return %c0_i32, %c0_i32_0 : i32, i32
  }
  func.func @transform_2(%arg0: i32) -> (i32, i32) {
    %c0_i32 = arith.constant 0 : i32
    %c0_i32_0 = arith.constant 0 : i32
    %c0_i32_1 = arith.constant 0 : i32
    return %c0_i32, %c0_i32_0 : i32, i32
  }
  func.func @transform_3(%arg0: i32) -> (i32, i32) {
    %c0_i32 = arith.constant 0 : i32
    %c0_i32_0 = arith.constant 0 : i32
    return %arg0, %c0_i32 : i32, i32
  }
  func.func @transform_4(%arg0: i32) -> (i32, i32) {
    %c0_i32 = arith.constant 0 : i32
    %c0_i32_0 = arith.constant 0 : i32
    return %arg0, %c0_i32 : i32, i32
  }
  func.func @transform_5(%arg0: i32) -> (i32, i32) {
    %c0_i32 = arith.constant 0 : i32
    %c0_i32_0 = arith.constant 0 : i32
    return %c0_i32, %arg0 : i32, i32
  }
}

module attributes {stable_mosaic.version = 14 : i64} {
  func.func @_select_body(%arg0: i32, %arg1: memref<512x256xf32, #tpu.memory_space<vmem>>, %arg2: memref<256x8192xbf16, #tpu.memory_space<vmem>>, %arg3: memref<1x8192xf32, #tpu.memory_space<vmem>>, %arg4: memref<64x8xi32, #tpu.memory_space<vmem>>, %arg5: memref<256x8192xf32, #tpu.memory_space<vmem>>, %arg6: memref<256x8192xf32, #tpu.memory_space<vmem>>, %arg7: memref<32x8192xf32, #tpu.memory_space<vmem>>) attributes {dimension_semantics = [#tpu.dimension_semantics<arbitrary>], iteration_bounds = array<i64: 17>, scalar_prefetch = 0 : i64, scratch_operands = 3 : i64, tpu.core_type = #tpu.core_type<tc>, window_params = [{transform_indices = @transform_0, window_bounds = array<i64: 512, 256>}, {pipeline_mode = #tpu.pipeline_mode<synchronous>, transform_indices = @transform_1, window_bounds = array<i64: 256, 8192>}, {pipeline_mode = #tpu.pipeline_mode<synchronous>, transform_indices = @transform_2, window_bounds = array<i64: 1, 8192>}, {transform_indices = @transform_3, window_bounds = array<i64: 64, 8>}]} {
    %get3A = arith.constant 0 : index
    %get3A_0 = arith.constant 0 : index
    %get3A_1 = vector.load %arg1[%get3A, %get3A_0] : memref<512x256xf32, #tpu.memory_space<vmem>>, vector<256x256xf32>
    %reshape3A = vector.shape_cast %get3A_1 : vector<256x256xf32> to vector<32x8x256xf32>
    %transpose3A = tpu.transpose %reshape3A, [1, 0, 2] : vector<32x8x256xf32> -> vector<8x32x256xf32>
    %reshape3A_2 = vector.shape_cast %transpose3A : vector<8x32x256xf32> to vector<256x256xf32>
    %mul3A = arith.mulf %reshape3A_2, %reshape3A_2 : vector<256x256xf32>
    %reduce_sum3A = arith.constant dense<0.000000e+00> : vector<256xf32>
    %reduce_sum3A_3 = vector.multi_reduction <add>, %mul3A, %reduce_sum3A [1] : vector<256x256xf32> to vector<256xf32>
    %broadcast_in_dim3A = vector.shape_cast %reduce_sum3A_3 : vector<256xf32> to vector<256x1xf32>
    %convert_element_type3A = arith.truncf %reshape3A_2 : vector<256x256xf32> to vector<256x256xbf16>
    %get3A_4 = arith.constant 0 : index
    %get3A_5 = arith.constant 0 : index
    %get3A_6 = vector.load %arg2[%get3A_4, %get3A_5] : memref<256x8192xbf16, #tpu.memory_space<vmem>>, vector<256x8192xbf16>
    %dot_general3A = arith.constant dense<0.000000e+00> : vector<256x8192xf32>
    %dot_general3A_7 = tpu.matmul %convert_element_type3A, %get3A_6, %dot_general3A {dimension_numbers = #tpu.dot_dimension_numbers<[1], [0], [0], [1], [0, 0, 1, 1], [], []>, transpose_lhs_hint = false} : vector<256x256xbf16>, vector<256x8192xbf16>, vector<256x8192xf32> -> vector<256x8192xf32>
    %get3A_8 = arith.constant 0 : index
    %get3A_9 = arith.constant 0 : index
    %get3A_10 = vector.load %arg3[%get3A_8, %get3A_9] : memref<1x8192xf32, #tpu.memory_space<vmem>>, vector<1x8192xf32>
    %add3A = vector.broadcast %broadcast_in_dim3A : vector<256x1xf32> to vector<256x8192xf32>
    %add3A_11 = vector.broadcast %get3A_10 : vector<1x8192xf32> to vector<256x8192xf32>
    %add3A_12 = arith.addf %add3A, %add3A_11 : vector<256x8192xf32>
    %add3A_13 = arith.addf %add3A_12, %dot_general3A_7 : vector<256x8192xf32>
    %swap3A = arith.constant 0 : index
    %swap3A_14 = arith.constant 0 : index
    %swap3A_15 = vector.load %arg5[%swap3A, %swap3A_14] : memref<256x8192xf32, #tpu.memory_space<vmem>>, vector<256x8192xf32>
    tpu.vector_store %arg5[%swap3A, %swap3A_14], %add3A_13 {strides = array<i32>} : memref<256x8192xf32, #tpu.memory_space<vmem>>, vector<256x8192xf32>,
    %iota3A = tpu.iota {dimensions = array<i32: 1>} : vector<32x8192xi32>
    %get3A_16 = arith.constant 0 : index
    %get3A_17 = arith.constant 0 : index
    %get3A_18 = vector.load %arg6[%get3A_16, %get3A_17] : memref<256x8192xf32, #tpu.memory_space<vmem>>, vector<32x8192xf32>
    %argmin3A = tpu.reduce_index %get3A_18 {axis = 1 : i32, kind = #tpu.reduction_kind<arg_min>} : vector<32x8192xf32> -> vector<32xi32>
    %broadcast_in_dim3A_19 = vector.shape_cast %argmin3A : vector<32xi32> to vector<32x1xi32>
    %swap3A_20 = arith.constant 0 : index
    %swap3A_21 = arith.constant 0 : index
    %swap3A_22 = vector.load %arg4[%swap3A_20, %swap3A_21] : memref<64x8xi32, #tpu.memory_space<vmem>>, vector<32x1xi32>
    tpu.vector_store %arg4[%swap3A_20, %swap3A_21], %broadcast_in_dim3A_19 {strides = array<i32>} : memref<64x8xi32, #tpu.memory_space<vmem>>, vector<32x1xi32>,
    %eq3A = vector.broadcast %broadcast_in_dim3A_19 : vector<32x1xi32> to vector<32x8192xi32>
    %eq3A_23 = arith.cmpi eq, %iota3A, %eq3A : vector<32x8192xi32>
    %jit3A = arith.constant 0x7F800000 : f32
    %jit3A_24 = arith.constant 0.000000e+00 : f32
    %broadcast_in_dim3A_25 = vector.broadcast %jit3A : f32 to vector<32x8192xf32>
    %broadcast_in_dim3A_26 = vector.broadcast %jit3A_24 : f32 to vector<32x8192xf32>
    %select_n3A = arith.select %eq3A_23, %broadcast_in_dim3A_25, %broadcast_in_dim3A_26 : vector<32x8192xi1>, vector<32x8192xf32>
    %swap3A_27 = arith.constant 0 : index
    %swap3A_28 = arith.constant 0 : index
    %swap3A_29 = vector.load %arg7[%swap3A_27, %swap3A_28] : memref<32x8192xf32, #tpu.memory_space<vmem>>, vector<32x8192xf32>
    tpu.vector_store %arg7[%swap3A_27, %swap3A_28], %select_n3A {strides = array<i32>} : memref<32x8192xf32, #tpu.memory_space<vmem>>, vector<32x8192xf32>,
    %get3A_30 = arith.constant 32 : index
    %get3A_31 = arith.constant 0 : index
    %get3A_32 = vector.load %arg6[%get3A_30, %get3A_31] : memref<256x8192xf32, #tpu.memory_space<vmem>>, vector<32x8192xf32>
    %get3A_33 = arith.constant 0 : index
    %get3A_34 = arith.constant 0 : index
    %get3A_35 = vector.load %arg7[%get3A_33, %get3A_34] : memref<32x8192xf32, #tpu.memory_space<vmem>>, vector<32x8192xf32>
    %add3A_36 = arith.addf %get3A_32, %get3A_35 : vector<32x8192xf32>
    %argmin3A_37 = tpu.reduce_index %add3A_36 {axis = 1 : i32, kind = #tpu.reduction_kind<arg_min>} : vector<32x8192xf32> -> vector<32xi32>
    %broadcast_in_dim3A_38 = vector.shape_cast %argmin3A_37 : vector<32xi32> to vector<32x1xi32>
    %swap3A_39 = arith.constant 0 : index
    %swap3A_40 = arith.constant 1 : index
    %swap3A_41 = vector.load %arg4[%swap3A_39, %swap3A_40] : memref<64x8xi32, #tpu.memory_space<vmem>>, vector<32x1xi32>
    tpu.vector_store %arg4[%swap3A_39, %swap3A_40], %broadcast_in_dim3A_38 {strides = array<i32>} : memref<64x8xi32, #tpu.memory_space<vmem>>, vector<32x1xi32>,
    %eq3A_42 = vector.broadcast %broadcast_in_dim3A_38 : vector<32x1xi32> to vector<32x8192xi32>
    %eq3A_43 = arith.cmpi eq, %iota3A, %eq3A_42 : vector<32x8192xi32>
    %get3A_44 = arith.constant 0 : index
    %get3A_45 = arith.constant 0 : index
    %get3A_46 = vector.load %arg7[%get3A_44, %get3A_45] : memref<32x8192xf32, #tpu.memory_space<vmem>>, vector<32x8192xf32>
    %jit3A_47 = arith.constant 0x7F800000 : f32
    %broadcast_in_dim3A_48 = vector.broadcast %jit3A_47 : f32 to vector<32x8192xf32>
    %select_n3A_49 = arith.select %eq3A_43, %broadcast_in_dim3A_48, %get3A_46 : vector<32x8192xi1>, vector<32x8192xf32>
    %swap3A_50 = arith.constant 0 : index
    %swap3A_51 = arith.constant 0 : index
    %swap3A_52 = vector.load %arg7[%swap3A_50, %swap3A_51] : memref<32x8192xf32, #tpu.memory_space<vmem>>, vector<32x8192xf32>
    tpu.vector_store %arg7[%swap3A_50, %swap3A_51], %select_n3A_49 {strides = array<i32>} : memref<32x8192xf32, #tpu.memory_space<vmem>>, vector<32x8192xf32>,
    %get3A_53 = arith.constant 64 : index
    %get3A_54 = arith.constant 0 : index
    %get3A_55 = vector.load %arg6[%get3A_53, %get3A_54] : memref<256x8192xf32, #tpu.memory_space<vmem>>, vector<32x8192xf32>
    %get3A_56 = arith.constant 0 : index
    %get3A_57 = arith.constant 0 : index
    %get3A_58 = vector.load %arg7[%get3A_56, %get3A_57] : memref<32x8192xf32, #tpu.memory_space<vmem>>, vector<32x8192xf32>
    %add3A_59 = arith.addf %get3A_55, %get3A_58 : vector<32x8192xf32>
    %argmin3A_60 = tpu.reduce_index %add3A_59 {axis = 1 : i32, kind = #tpu.reduction_kind<arg_min>} : vector<32x8192xf32> -> vector<32xi32>
    %broadcast_in_dim3A_61 = vector.shape_cast %argmin3A_60 : vector<32xi32> to vector<32x1xi32>
    %swap3A_62 = arith.constant 0 : index
    %swap3A_63 = arith.constant 2 : index
    %swap3A_64 = vector.load %arg4[%swap3A_62, %swap3A_63] : memref<64x8xi32, #tpu.memory_space<vmem>>, vector<32x1xi32>
    tpu.vector_store %arg4[%swap3A_62, %swap3A_63], %broadcast_in_dim3A_61 {strides = array<i32>} : memref<64x8xi32, #tpu.memory_space<vmem>>, vector<32x1xi32>,
    %eq3A_65 = vector.broadcast %broadcast_in_dim3A_61 : vector<32x1xi32> to vector<32x8192xi32>
    %eq3A_66 = arith.cmpi eq, %iota3A, %eq3A_65 : vector<32x8192xi32>
    %get3A_67 = arith.constant 0 : index
    %get3A_68 = arith.constant 0 : index
    %get3A_69 = vector.load %arg7[%get3A_67, %get3A_68] : memref<32x8192xf32, #tpu.memory_space<vmem>>, vector<32x8192xf32>
    %jit3A_70 = arith.constant 0x7F800000 : f32
    %broadcast_in_dim3A_71 = vector.broadcast %jit3A_70 : f32 to vector<32x8192xf32>
    %select_n3A_72 = arith.select %eq3A_66, %broadcast_in_dim3A_71, %get3A_69 : vector<32x8192xi1>, vector<32x8192xf32>
    %swap3A_73 = arith.constant 0 : index
    %swap3A_74 = arith.constant 0 : index
    %swap3A_75 = vector.load %arg7[%swap3A_73, %swap3A_74] : memref<32x8192xf32, #tpu.memory_space<vmem>>, vector<32x8192xf32>
    tpu.vector_store %arg7[%swap3A_73, %swap3A_74], %select_n3A_72 {strides = array<i32>} : memref<32x8192xf32, #tpu.memory_space<vmem>>, vector<32x8192xf32>,
    %get3A_76 = arith.constant 96 : index
    %get3A_77 = arith.constant 0 : index
    %get3A_78 = vector.load %arg6[%get3A_76, %get3A_77] : memref<256x8192xf32, #tpu.memory_space<vmem>>, vector<32x8192xf32>
    %get3A_79 = arith.constant 0 : index
    %get3A_80 = arith.constant 0 : index
    %get3A_81 = vector.load %arg7[%get3A_79, %get3A_80] : memref<32x8192xf32, #tpu.memory_space<vmem>>, vector<32x8192xf32>
    %add3A_82 = arith.addf %get3A_78, %get3A_81 : vector<32x8192xf32>
    %argmin3A_83 = tpu.reduce_index %add3A_82 {axis = 1 : i32, kind = #tpu.reduction_kind<arg_min>} : vector<32x8192xf32> -> vector<32xi32>
    %broadcast_in_dim3A_84 = vector.shape_cast %argmin3A_83 : vector<32xi32> to vector<32x1xi32>
    %swap3A_85 = arith.constant 0 : index
    %swap3A_86 = arith.constant 3 : index
    %swap3A_87 = vector.load %arg4[%swap3A_85, %swap3A_86] : memref<64x8xi32, #tpu.memory_space<vmem>>, vector<32x1xi32>
    tpu.vector_store %arg4[%swap3A_85, %swap3A_86], %broadcast_in_dim3A_84 {strides = array<i32>} : memref<64x8xi32, #tpu.memory_space<vmem>>, vector<32x1xi32>,
    %eq3A_88 = vector.broadcast %broadcast_in_dim3A_84 : vector<32x1xi32> to vector<32x8192xi32>
    %eq3A_89 = arith.cmpi eq, %iota3A, %eq3A_88 : vector<32x8192xi32>
    %get3A_90 = arith.constant 0 : index
    %get3A_91 = arith.constant 0 : index
    %get3A_92 = vector.load %arg7[%get3A_90, %get3A_91] : memref<32x8192xf32, #tpu.memory_space<vmem>>, vector<32x8192xf32>
    %jit3A_93 = arith.constant 0x7F800000 : f32
    %broadcast_in_dim3A_94 = vector.broadcast %jit3A_93 : f32 to vector<32x8192xf32>
    %select_n3A_95 = arith.select %eq3A_89, %broadcast_in_dim3A_94, %get3A_92 : vector<32x8192xi1>, vector<32x8192xf32>
    %swap3A_96 = arith.constant 0 : index
    %swap3A_97 = arith.constant 0 : index
    %swap3A_98 = vector.load %arg7[%swap3A_96, %swap3A_97] : memref<32x8192xf32, #tpu.memory_space<vmem>>, vector<32x8192xf32>
    tpu.vector_store %arg7[%swap3A_96, %swap3A_97], %select_n3A_95 {strides = array<i32>} : memref<32x8192xf32, #tpu.memory_space<vmem>>, vector<32x8192xf32>,
    %get3A_99 = arith.constant 128 : index
    %get3A_100 = arith.constant 0 : index
    %get3A_101 = vector.load %arg6[%get3A_99, %get3A_100] : memref<256x8192xf32, #tpu.memory_space<vmem>>, vector<32x8192xf32>
    %get3A_102 = arith.constant 0 : index
    %get3A_103 = arith.constant 0 : index
    %get3A_104 = vector.load %arg7[%get3A_102, %get3A_103] : memref<32x8192xf32, #tpu.memory_space<vmem>>, vector<32x8192xf32>
    %add3A_105 = arith.addf %get3A_101, %get3A_104 : vector<32x8192xf32>
    %argmin3A_106 = tpu.reduce_index %add3A_105 {axis = 1 : i32, kind = #tpu.reduction_kind<arg_min>} : vector<32x8192xf32> -> vector<32xi32>
    %broadcast_in_dim3A_107 = vector.shape_cast %argmin3A_106 : vector<32xi32> to vector<32x1xi32>
    %swap3A_108 = arith.constant 0 : index
    %swap3A_109 = arith.constant 4 : index
    %swap3A_110 = vector.load %arg4[%swap3A_108, %swap3A_109] : memref<64x8xi32, #tpu.memory_space<vmem>>, vector<32x1xi32>
    tpu.vector_store %arg4[%swap3A_108, %swap3A_109], %broadcast_in_dim3A_107 {strides = array<i32>} : memref<64x8xi32, #tpu.memory_space<vmem>>, vector<32x1xi32>,
    %eq3A_111 = vector.broadcast %broadcast_in_dim3A_107 : vector<32x1xi32> to vector<32x8192xi32>
    %eq3A_112 = arith.cmpi eq, %iota3A, %eq3A_111 : vector<32x8192xi32>
    %get3A_113 = arith.constant 0 : index
    %get3A_114 = arith.constant 0 : index
    %get3A_115 = vector.load %arg7[%get3A_113, %get3A_114] : memref<32x8192xf32, #tpu.memory_space<vmem>>, vector<32x8192xf32>
    %jit3A_116 = arith.constant 0x7F800000 : f32
    %broadcast_in_dim3A_117 = vector.broadcast %jit3A_116 : f32 to vector<32x8192xf32>
    %select_n3A_118 = arith.select %eq3A_112, %broadcast_in_dim3A_117, %get3A_115 : vector<32x8192xi1>, vector<32x8192xf32>
    %swap3A_119 = arith.constant 0 : index
    %swap3A_120 = arith.constant 0 : index
    %swap3A_121 = vector.load %arg7[%swap3A_119, %swap3A_120] : memref<32x8192xf32, #tpu.memory_space<vmem>>, vector<32x8192xf32>
    tpu.vector_store %arg7[%swap3A_119, %swap3A_120], %select_n3A_118 {strides = array<i32>} : memref<32x8192xf32, #tpu.memory_space<vmem>>, vector<32x8192xf32>,
    %get3A_122 = arith.constant 160 : index
    %get3A_123 = arith.constant 0 : index
    %get3A_124 = vector.load %arg6[%get3A_122, %get3A_123] : memref<256x8192xf32, #tpu.memory_space<vmem>>, vector<32x8192xf32>
    %get3A_125 = arith.constant 0 : index
    %get3A_126 = arith.constant 0 : index
    %get3A_127 = vector.load %arg7[%get3A_125, %get3A_126] : memref<32x8192xf32, #tpu.memory_space<vmem>>, vector<32x8192xf32>
    %add3A_128 = arith.addf %get3A_124, %get3A_127 : vector<32x8192xf32>
    %argmin3A_129 = tpu.reduce_index %add3A_128 {axis = 1 : i32, kind = #tpu.reduction_kind<arg_min>} : vector<32x8192xf32> -> vector<32xi32>
    %broadcast_in_dim3A_130 = vector.shape_cast %argmin3A_129 : vector<32xi32> to vector<32x1xi32>
    %swap3A_131 = arith.constant 0 : index
    %swap3A_132 = arith.constant 5 : index
    %swap3A_133 = vector.load %arg4[%swap3A_131, %swap3A_132] : memref<64x8xi32, #tpu.memory_space<vmem>>, vector<32x1xi32>
    tpu.vector_store %arg4[%swap3A_131, %swap3A_132], %broadcast_in_dim3A_130 {strides = array<i32>} : memref<64x8xi32, #tpu.memory_space<vmem>>, vector<32x1xi32>,
    %eq3A_134 = vector.broadcast %broadcast_in_dim3A_130 : vector<32x1xi32> to vector<32x8192xi32>
    %eq3A_135 = arith.cmpi eq, %iota3A, %eq3A_134 : vector<32x8192xi32>
    %get3A_136 = arith.constant 0 : index
    %get3A_137 = arith.constant 0 : index
    %get3A_138 = vector.load %arg7[%get3A_136, %get3A_137] : memref<32x8192xf32, #tpu.memory_space<vmem>>, vector<32x8192xf32>
    %jit3A_139 = arith.constant 0x7F800000 : f32
    %broadcast_in_dim3A_140 = vector.broadcast %jit3A_139 : f32 to vector<32x8192xf32>
    %select_n3A_141 = arith.select %eq3A_135, %broadcast_in_dim3A_140, %get3A_138 : vector<32x8192xi1>, vector<32x8192xf32>
    %swap3A_142 = arith.constant 0 : index
    %swap3A_143 = arith.constant 0 : index
    %swap3A_144 = vector.load %arg7[%swap3A_142, %swap3A_143] : memref<32x8192xf32, #tpu.memory_space<vmem>>, vector<32x8192xf32>
    tpu.vector_store %arg7[%swap3A_142, %swap3A_143], %select_n3A_141 {strides = array<i32>} : memref<32x8192xf32, #tpu.memory_space<vmem>>, vector<32x8192xf32>,
    %get3A_145 = arith.constant 192 : index
    %get3A_146 = arith.constant 0 : index
    %get3A_147 = vector.load %arg6[%get3A_145, %get3A_146] : memref<256x8192xf32, #tpu.memory_space<vmem>>, vector<32x8192xf32>
    %get3A_148 = arith.constant 0 : index
    %get3A_149 = arith.constant 0 : index
    %get3A_150 = vector.load %arg7[%get3A_148, %get3A_149] : memref<32x8192xf32, #tpu.memory_space<vmem>>, vector<32x8192xf32>
    %add3A_151 = arith.addf %get3A_147, %get3A_150 : vector<32x8192xf32>
    %argmin3A_152 = tpu.reduce_index %add3A_151 {axis = 1 : i32, kind = #tpu.reduction_kind<arg_min>} : vector<32x8192xf32> -> vector<32xi32>
    %broadcast_in_dim3A_153 = vector.shape_cast %argmin3A_152 : vector<32xi32> to vector<32x1xi32>
    %swap3A_154 = arith.constant 0 : index
    %swap3A_155 = arith.constant 6 : index
    %swap3A_156 = vector.load %arg4[%swap3A_154, %swap3A_155] : memref<64x8xi32, #tpu.memory_space<vmem>>, vector<32x1xi32>
    tpu.vector_store %arg4[%swap3A_154, %swap3A_155], %broadcast_in_dim3A_153 {strides = array<i32>} : memref<64x8xi32, #tpu.memory_space<vmem>>, vector<32x1xi32>,
    %eq3A_157 = vector.broadcast %broadcast_in_dim3A_153 : vector<32x1xi32> to vector<32x8192xi32>
    %eq3A_158 = arith.cmpi eq, %iota3A, %eq3A_157 : vector<32x8192xi32>
    %get3A_159 = arith.constant 0 : index
    %get3A_160 = arith.constant 0 : index
    %get3A_161 = vector.load %arg7[%get3A_159, %get3A_160] : memref<32x8192xf32, #tpu.memory_space<vmem>>, vector<32x8192xf32>
    %jit3A_162 = arith.constant 0x7F800000 : f32
    %broadcast_in_dim3A_163 = vector.broadcast %jit3A_162 : f32 to vector<32x8192xf32>
    %select_n3A_164 = arith.select %eq3A_158, %broadcast_in_dim3A_163, %get3A_161 : vector<32x8192xi1>, vector<32x8192xf32>
    %swap3A_165 = arith.constant 0 : index
    %swap3A_166 = arith.constant 0 : index
    %swap3A_167 = vector.load %arg7[%swap3A_165, %swap3A_166] : memref<32x8192xf32, #tpu.memory_space<vmem>>, vector<32x8192xf32>
    tpu.vector_store %arg7[%swap3A_165, %swap3A_166], %select_n3A_164 {strides = array<i32>} : memref<32x8192xf32, #tpu.memory_space<vmem>>, vector<32x8192xf32>,
    %get3A_168 = arith.constant 224 : index
    %get3A_169 = arith.constant 0 : index
    %get3A_170 = vector.load %arg6[%get3A_168, %get3A_169] : memref<256x8192xf32, #tpu.memory_space<vmem>>, vector<32x8192xf32>
    %get3A_171 = arith.constant 0 : index
    %get3A_172 = arith.constant 0 : index
    %get3A_173 = vector.load %arg7[%get3A_171, %get3A_172] : memref<32x8192xf32, #tpu.memory_space<vmem>>, vector<32x8192xf32>
    %add3A_174 = arith.addf %get3A_170, %get3A_173 : vector<32x8192xf32>
    %argmin3A_175 = tpu.reduce_index %add3A_174 {axis = 1 : i32, kind = #tpu.reduction_kind<arg_min>} : vector<32x8192xf32> -> vector<32xi32>
    %broadcast_in_dim3A_176 = vector.shape_cast %argmin3A_175 : vector<32xi32> to vector<32x1xi32>
    %swap3A_177 = arith.constant 0 : index
    %swap3A_178 = arith.constant 7 : index
    %swap3A_179 = vector.load %arg4[%swap3A_177, %swap3A_178] : memref<64x8xi32, #tpu.memory_space<vmem>>, vector<32x1xi32>
    tpu.vector_store %arg4[%swap3A_177, %swap3A_178], %broadcast_in_dim3A_176 {strides = array<i32>} : memref<64x8xi32, #tpu.memory_space<vmem>>, vector<32x1xi32>,
    %get3A_180 = arith.constant 256 : index
    %get3A_181 = arith.constant 0 : index
    %get3A_182 = vector.load %arg1[%get3A_180, %get3A_181] : memref<512x256xf32, #tpu.memory_space<vmem>>, vector<256x256xf32>
    %reshape3A_183 = vector.shape_cast %get3A_182 : vector<256x256xf32> to vector<32x8x256xf32>
    %transpose3A_184 = tpu.transpose %reshape3A_183, [1, 0, 2] : vector<32x8x256xf32> -> vector<8x32x256xf32>
    %reshape3A_185 = vector.shape_cast %transpose3A_184 : vector<8x32x256xf32> to vector<256x256xf32>
    %mul3A_186 = arith.mulf %reshape3A_185, %reshape3A_185 : vector<256x256xf32>
    %reduce_sum3A_187 = arith.constant dense<0.000000e+00> : vector<256xf32>
    %reduce_sum3A_188 = vector.multi_reduction <add>, %mul3A_186, %reduce_sum3A_187 [1] : vector<256x256xf32> to vector<256xf32>
    %broadcast_in_dim3A_189 = vector.shape_cast %reduce_sum3A_188 : vector<256xf32> to vector<256x1xf32>
    %convert_element_type3A_190 = arith.truncf %reshape3A_185 : vector<256x256xf32> to vector<256x256xbf16>
    %get3A_191 = arith.constant 0 : index
    %get3A_192 = arith.constant 0 : index
    %get3A_193 = vector.load %arg2[%get3A_191, %get3A_192] : memref<256x8192xbf16, #tpu.memory_space<vmem>>, vector<256x8192xbf16>
    %dot_general3A_194 = arith.constant dense<0.000000e+00> : vector<256x8192xf32>
    %dot_general3A_195 = tpu.matmul %convert_element_type3A_190, %get3A_193, %dot_general3A_194 {dimension_numbers = #tpu.dot_dimension_numbers<[1], [0], [0], [1], [0, 0, 1, 1], [], []>, transpose_lhs_hint = false} : vector<256x256xbf16>, vector<256x8192xbf16>, vector<256x8192xf32> -> vector<256x8192xf32>
    %get3A_196 = arith.constant 0 : index
    %get3A_197 = arith.constant 0 : index
    %get3A_198 = vector.load %arg3[%get3A_196, %get3A_197] : memref<1x8192xf32, #tpu.memory_space<vmem>>, vector<1x8192xf32>
    %add3A_199 = vector.broadcast %broadcast_in_dim3A_189 : vector<256x1xf32> to vector<256x8192xf32>
    %add3A_200 = vector.broadcast %get3A_198 : vector<1x8192xf32> to vector<256x8192xf32>
    %add3A_201 = arith.addf %add3A_199, %add3A_200 : vector<256x8192xf32>
    %add3A_202 = arith.addf %add3A_201, %dot_general3A_195 : vector<256x8192xf32>
    %swap3A_203 = arith.constant 0 : index
    %swap3A_204 = arith.constant 0 : index
    %swap3A_205 = vector.load %arg6[%swap3A_203, %swap3A_204] : memref<256x8192xf32, #tpu.memory_space<vmem>>, vector<256x8192xf32>
    tpu.vector_store %arg6[%swap3A_203, %swap3A_204], %add3A_202 {strides = array<i32>} : memref<256x8192xf32, #tpu.memory_space<vmem>>, vector<256x8192xf32>,
    %iota3A_206 = tpu.iota {dimensions = array<i32: 1>} : vector<32x8192xi32>
    %get3A_207 = arith.constant 0 : index
    %get3A_208 = arith.constant 0 : index
    %get3A_209 = vector.load %arg5[%get3A_207, %get3A_208] : memref<256x8192xf32, #tpu.memory_space<vmem>>, vector<32x8192xf32>
    %argmin3A_210 = tpu.reduce_index %get3A_209 {axis = 1 : i32, kind = #tpu.reduction_kind<arg_min>} : vector<32x8192xf32> -> vector<32xi32>
    %broadcast_in_dim3A_211 = vector.shape_cast %argmin3A_210 : vector<32xi32> to vector<32x1xi32>
    %swap3A_212 = arith.constant 32 : index
    %swap3A_213 = arith.constant 0 : index
    %swap3A_214 = vector.load %arg4[%swap3A_212, %swap3A_213] : memref<64x8xi32, #tpu.memory_space<vmem>>, vector<32x1xi32>
    tpu.vector_store %arg4[%swap3A_212, %swap3A_213], %broadcast_in_dim3A_211 {strides = array<i32>} : memref<64x8xi32, #tpu.memory_space<vmem>>, vector<32x1xi32>,
    %eq3A_215 = vector.broadcast %broadcast_in_dim3A_211 : vector<32x1xi32> to vector<32x8192xi32>
    %eq3A_216 = arith.cmpi eq, %iota3A_206, %eq3A_215 : vector<32x8192xi32>
    %jit3A_217 = arith.constant 0x7F800000 : f32
    %jit3A_218 = arith.constant 0.000000e+00 : f32
    %broadcast_in_dim3A_219 = vector.broadcast %jit3A_217 : f32 to vector<32x8192xf32>
    %broadcast_in_dim3A_220 = vector.broadcast %jit3A_218 : f32 to vector<32x8192xf32>
    %select_n3A_221 = arith.select %eq3A_216, %broadcast_in_dim3A_219, %broadcast_in_dim3A_220 : vector<32x8192xi1>, vector<32x8192xf32>
    %swap3A_222 = arith.constant 0 : index
    %swap3A_223 = arith.constant 0 : index
    %swap3A_224 = vector.load %arg7[%swap3A_222, %swap3A_223] : memref<32x8192xf32, #tpu.memory_space<vmem>>, vector<32x8192xf32>
    tpu.vector_store %arg7[%swap3A_222, %swap3A_223], %select_n3A_221 {strides = array<i32>} : memref<32x8192xf32, #tpu.memory_space<vmem>>, vector<32x8192xf32>,
    %get3A_225 = arith.constant 32 : index
    %get3A_226 = arith.constant 0 : index
    %get3A_227 = vector.load %arg5[%get3A_225, %get3A_226] : memref<256x8192xf32, #tpu.memory_space<vmem>>, vector<32x8192xf32>
    %get3A_228 = arith.constant 0 : index
    %get3A_229 = arith.constant 0 : index
    %get3A_230 = vector.load %arg7[%get3A_228, %get3A_229] : memref<32x8192xf32, #tpu.memory_space<vmem>>, vector<32x8192xf32>
    %add3A_231 = arith.addf %get3A_227, %get3A_230 : vector<32x8192xf32>
    %argmin3A_232 = tpu.reduce_index %add3A_231 {axis = 1 : i32, kind = #tpu.reduction_kind<arg_min>} : vector<32x8192xf32> -> vector<32xi32>
    %broadcast_in_dim3A_233 = vector.shape_cast %argmin3A_232 : vector<32xi32> to vector<32x1xi32>
    %swap3A_234 = arith.constant 32 : index
    %swap3A_235 = arith.constant 1 : index
    %swap3A_236 = vector.load %arg4[%swap3A_234, %swap3A_235] : memref<64x8xi32, #tpu.memory_space<vmem>>, vector<32x1xi32>
    tpu.vector_store %arg4[%swap3A_234, %swap3A_235], %broadcast_in_dim3A_233 {strides = array<i32>} : memref<64x8xi32, #tpu.memory_space<vmem>>, vector<32x1xi32>,
    %eq3A_237 = vector.broadcast %broadcast_in_dim3A_233 : vector<32x1xi32> to vector<32x8192xi32>
    %eq3A_238 = arith.cmpi eq, %iota3A_206, %eq3A_237 : vector<32x8192xi32>
    %get3A_239 = arith.constant 0 : index
    %get3A_240 = arith.constant 0 : index
    %get3A_241 = vector.load %arg7[%get3A_239, %get3A_240] : memref<32x8192xf32, #tpu.memory_space<vmem>>, vector<32x8192xf32>
    %jit3A_242 = arith.constant 0x7F800000 : f32
    %broadcast_in_dim3A_243 = vector.broadcast %jit3A_242 : f32 to vector<32x8192xf32>
    %select_n3A_244 = arith.select %eq3A_238, %broadcast_in_dim3A_243, %get3A_241 : vector<32x8192xi1>, vector<32x8192xf32>
    %swap3A_245 = arith.constant 0 : index
    %swap3A_246 = arith.constant 0 : index
    %swap3A_247 = vector.load %arg7[%swap3A_245, %swap3A_246] : memref<32x8192xf32, #tpu.memory_space<vmem>>, vector<32x8192xf32>
    tpu.vector_store %arg7[%swap3A_245, %swap3A_246], %select_n3A_244 {strides = array<i32>} : memref<32x8192xf32, #tpu.memory_space<vmem>>, vector<32x8192xf32>,
    %get3A_248 = arith.constant 64 : index
    %get3A_249 = arith.constant 0 : index
    %get3A_250 = vector.load %arg5[%get3A_248, %get3A_249] : memref<256x8192xf32, #tpu.memory_space<vmem>>, vector<32x8192xf32>
    %get3A_251 = arith.constant 0 : index
    %get3A_252 = arith.constant 0 : index
    %get3A_253 = vector.load %arg7[%get3A_251, %get3A_252] : memref<32x8192xf32, #tpu.memory_space<vmem>>, vector<32x8192xf32>
    %add3A_254 = arith.addf %get3A_250, %get3A_253 : vector<32x8192xf32>
    %argmin3A_255 = tpu.reduce_index %add3A_254 {axis = 1 : i32, kind = #tpu.reduction_kind<arg_min>} : vector<32x8192xf32> -> vector<32xi32>
    %broadcast_in_dim3A_256 = vector.shape_cast %argmin3A_255 : vector<32xi32> to vector<32x1xi32>
    %swap3A_257 = arith.constant 32 : index
    %swap3A_258 = arith.constant 2 : index
    %swap3A_259 = vector.load %arg4[%swap3A_257, %swap3A_258] : memref<64x8xi32, #tpu.memory_space<vmem>>, vector<32x1xi32>
    tpu.vector_store %arg4[%swap3A_257, %swap3A_258], %broadcast_in_dim3A_256 {strides = array<i32>} : memref<64x8xi32, #tpu.memory_space<vmem>>, vector<32x1xi32>,
    %eq3A_260 = vector.broadcast %broadcast_in_dim3A_256 : vector<32x1xi32> to vector<32x8192xi32>
    %eq3A_261 = arith.cmpi eq, %iota3A_206, %eq3A_260 : vector<32x8192xi32>
    %get3A_262 = arith.constant 0 : index
    %get3A_263 = arith.constant 0 : index
    %get3A_264 = vector.load %arg7[%get3A_262, %get3A_263] : memref<32x8192xf32, #tpu.memory_space<vmem>>, vector<32x8192xf32>
    %jit3A_265 = arith.constant 0x7F800000 : f32
    %broadcast_in_dim3A_266 = vector.broadcast %jit3A_265 : f32 to vector<32x8192xf32>
    %select_n3A_267 = arith.select %eq3A_261, %broadcast_in_dim3A_266, %get3A_264 : vector<32x8192xi1>, vector<32x8192xf32>
    %swap3A_268 = arith.constant 0 : index
    %swap3A_269 = arith.constant 0 : index
    %swap3A_270 = vector.load %arg7[%swap3A_268, %swap3A_269] : memref<32x8192xf32, #tpu.memory_space<vmem>>, vector<32x8192xf32>
    tpu.vector_store %arg7[%swap3A_268, %swap3A_269], %select_n3A_267 {strides = array<i32>} : memref<32x8192xf32, #tpu.memory_space<vmem>>, vector<32x8192xf32>,
    %get3A_271 = arith.constant 96 : index
    %get3A_272 = arith.constant 0 : index
    %get3A_273 = vector.load %arg5[%get3A_271, %get3A_272] : memref<256x8192xf32, #tpu.memory_space<vmem>>, vector<32x8192xf32>
    %get3A_274 = arith.constant 0 : index
    %get3A_275 = arith.constant 0 : index
    %get3A_276 = vector.load %arg7[%get3A_274, %get3A_275] : memref<32x8192xf32, #tpu.memory_space<vmem>>, vector<32x8192xf32>
    %add3A_277 = arith.addf %get3A_273, %get3A_276 : vector<32x8192xf32>
    %argmin3A_278 = tpu.reduce_index %add3A_277 {axis = 1 : i32, kind = #tpu.reduction_kind<arg_min>} : vector<32x8192xf32> -> vector<32xi32>
    %broadcast_in_dim3A_279 = vector.shape_cast %argmin3A_278 : vector<32xi32> to vector<32x1xi32>
    %swap3A_280 = arith.constant 32 : index
    %swap3A_281 = arith.constant 3 : index
    %swap3A_282 = vector.load %arg4[%swap3A_280, %swap3A_281] : memref<64x8xi32, #tpu.memory_space<vmem>>, vector<32x1xi32>
    tpu.vector_store %arg4[%swap3A_280, %swap3A_281], %broadcast_in_dim3A_279 {strides = array<i32>} : memref<64x8xi32, #tpu.memory_space<vmem>>, vector<32x1xi32>,
    %eq3A_283 = vector.broadcast %broadcast_in_dim3A_279 : vector<32x1xi32> to vector<32x8192xi32>
    %eq3A_284 = arith.cmpi eq, %iota3A_206, %eq3A_283 : vector<32x8192xi32>
    %get3A_285 = arith.constant 0 : index
    %get3A_286 = arith.constant 0 : index
    %get3A_287 = vector.load %arg7[%get3A_285, %get3A_286] : memref<32x8192xf32, #tpu.memory_space<vmem>>, vector<32x8192xf32>
    %jit3A_288 = arith.constant 0x7F800000 : f32
    %broadcast_in_dim3A_289 = vector.broadcast %jit3A_288 : f32 to vector<32x8192xf32>
    %select_n3A_290 = arith.select %eq3A_284, %broadcast_in_dim3A_289, %get3A_287 : vector<32x8192xi1>, vector<32x8192xf32>
    %swap3A_291 = arith.constant 0 : index
    %swap3A_292 = arith.constant 0 : index
    %swap3A_293 = vector.load %arg7[%swap3A_291, %swap3A_292] : memref<32x8192xf32, #tpu.memory_space<vmem>>, vector<32x8192xf32>
    tpu.vector_store %arg7[%swap3A_291, %swap3A_292], %select_n3A_290 {strides = array<i32>} : memref<32x8192xf32, #tpu.memory_space<vmem>>, vector<32x8192xf32>,
    %get3A_294 = arith.constant 128 : index
    %get3A_295 = arith.constant 0 : index
    %get3A_296 = vector.load %arg5[%get3A_294, %get3A_295] : memref<256x8192xf32, #tpu.memory_space<vmem>>, vector<32x8192xf32>
    %get3A_297 = arith.constant 0 : index
    %get3A_298 = arith.constant 0 : index
    %get3A_299 = vector.load %arg7[%get3A_297, %get3A_298] : memref<32x8192xf32, #tpu.memory_space<vmem>>, vector<32x8192xf32>
    %add3A_300 = arith.addf %get3A_296, %get3A_299 : vector<32x8192xf32>
    %argmin3A_301 = tpu.reduce_index %add3A_300 {axis = 1 : i32, kind = #tpu.reduction_kind<arg_min>} : vector<32x8192xf32> -> vector<32xi32>
    %broadcast_in_dim3A_302 = vector.shape_cast %argmin3A_301 : vector<32xi32> to vector<32x1xi32>
    %swap3A_303 = arith.constant 32 : index
    %swap3A_304 = arith.constant 4 : index
    %swap3A_305 = vector.load %arg4[%swap3A_303, %swap3A_304] : memref<64x8xi32, #tpu.memory_space<vmem>>, vector<32x1xi32>
    tpu.vector_store %arg4[%swap3A_303, %swap3A_304], %broadcast_in_dim3A_302 {strides = array<i32>} : memref<64x8xi32, #tpu.memory_space<vmem>>, vector<32x1xi32>,
    %eq3A_306 = vector.broadcast %broadcast_in_dim3A_302 : vector<32x1xi32> to vector<32x8192xi32>
    %eq3A_307 = arith.cmpi eq, %iota3A_206, %eq3A_306 : vector<32x8192xi32>
    %get3A_308 = arith.constant 0 : index
    %get3A_309 = arith.constant 0 : index
    %get3A_310 = vector.load %arg7[%get3A_308, %get3A_309] : memref<32x8192xf32, #tpu.memory_space<vmem>>, vector<32x8192xf32>
    %jit3A_311 = arith.constant 0x7F800000 : f32
    %broadcast_in_dim3A_312 = vector.broadcast %jit3A_311 : f32 to vector<32x8192xf32>
    %select_n3A_313 = arith.select %eq3A_307, %broadcast_in_dim3A_312, %get3A_310 : vector<32x8192xi1>, vector<32x8192xf32>
    %swap3A_314 = arith.constant 0 : index
    %swap3A_315 = arith.constant 0 : index
    %swap3A_316 = vector.load %arg7[%swap3A_314, %swap3A_315] : memref<32x8192xf32, #tpu.memory_space<vmem>>, vector<32x8192xf32>
    tpu.vector_store %arg7[%swap3A_314, %swap3A_315], %select_n3A_313 {strides = array<i32>} : memref<32x8192xf32, #tpu.memory_space<vmem>>, vector<32x8192xf32>,
    %get3A_317 = arith.constant 160 : index
    %get3A_318 = arith.constant 0 : index
    %get3A_319 = vector.load %arg5[%get3A_317, %get3A_318] : memref<256x8192xf32, #tpu.memory_space<vmem>>, vector<32x8192xf32>
    %get3A_320 = arith.constant 0 : index
    %get3A_321 = arith.constant 0 : index
    %get3A_322 = vector.load %arg7[%get3A_320, %get3A_321] : memref<32x8192xf32, #tpu.memory_space<vmem>>, vector<32x8192xf32>
    %add3A_323 = arith.addf %get3A_319, %get3A_322 : vector<32x8192xf32>
    %argmin3A_324 = tpu.reduce_index %add3A_323 {axis = 1 : i32, kind = #tpu.reduction_kind<arg_min>} : vector<32x8192xf32> -> vector<32xi32>
    %broadcast_in_dim3A_325 = vector.shape_cast %argmin3A_324 : vector<32xi32> to vector<32x1xi32>
    %swap3A_326 = arith.constant 32 : index
    %swap3A_327 = arith.constant 5 : index
    %swap3A_328 = vector.load %arg4[%swap3A_326, %swap3A_327] : memref<64x8xi32, #tpu.memory_space<vmem>>, vector<32x1xi32>
    tpu.vector_store %arg4[%swap3A_326, %swap3A_327], %broadcast_in_dim3A_325 {strides = array<i32>} : memref<64x8xi32, #tpu.memory_space<vmem>>, vector<32x1xi32>,
    %eq3A_329 = vector.broadcast %broadcast_in_dim3A_325 : vector<32x1xi32> to vector<32x8192xi32>
    %eq3A_330 = arith.cmpi eq, %iota3A_206, %eq3A_329 : vector<32x8192xi32>
    %get3A_331 = arith.constant 0 : index
    %get3A_332 = arith.constant 0 : index
    %get3A_333 = vector.load %arg7[%get3A_331, %get3A_332] : memref<32x8192xf32, #tpu.memory_space<vmem>>, vector<32x8192xf32>
    %jit3A_334 = arith.constant 0x7F800000 : f32
    %broadcast_in_dim3A_335 = vector.broadcast %jit3A_334 : f32 to vector<32x8192xf32>
    %select_n3A_336 = arith.select %eq3A_330, %broadcast_in_dim3A_335, %get3A_333 : vector<32x8192xi1>, vector<32x8192xf32>
    %swap3A_337 = arith.constant 0 : index
    %swap3A_338 = arith.constant 0 : index
    %swap3A_339 = vector.load %arg7[%swap3A_337, %swap3A_338] : memref<32x8192xf32, #tpu.memory_space<vmem>>, vector<32x8192xf32>
    tpu.vector_store %arg7[%swap3A_337, %swap3A_338], %select_n3A_336 {strides = array<i32>} : memref<32x8192xf32, #tpu.memory_space<vmem>>, vector<32x8192xf32>,
    %get3A_340 = arith.constant 192 : index
    %get3A_341 = arith.constant 0 : index
    %get3A_342 = vector.load %arg5[%get3A_340, %get3A_341] : memref<256x8192xf32, #tpu.memory_space<vmem>>, vector<32x8192xf32>
    %get3A_343 = arith.constant 0 : index
    %get3A_344 = arith.constant 0 : index
    %get3A_345 = vector.load %arg7[%get3A_343, %get3A_344] : memref<32x8192xf32, #tpu.memory_space<vmem>>, vector<32x8192xf32>
    %add3A_346 = arith.addf %get3A_342, %get3A_345 : vector<32x8192xf32>
    %argmin3A_347 = tpu.reduce_index %add3A_346 {axis = 1 : i32, kind = #tpu.reduction_kind<arg_min>} : vector<32x8192xf32> -> vector<32xi32>
    %broadcast_in_dim3A_348 = vector.shape_cast %argmin3A_347 : vector<32xi32> to vector<32x1xi32>
    %swap3A_349 = arith.constant 32 : index
    %swap3A_350 = arith.constant 6 : index
    %swap3A_351 = vector.load %arg4[%swap3A_349, %swap3A_350] : memref<64x8xi32, #tpu.memory_space<vmem>>, vector<32x1xi32>
    tpu.vector_store %arg4[%swap3A_349, %swap3A_350], %broadcast_in_dim3A_348 {strides = array<i32>} : memref<64x8xi32, #tpu.memory_space<vmem>>, vector<32x1xi32>,
    %eq3A_352 = vector.broadcast %broadcast_in_dim3A_348 : vector<32x1xi32> to vector<32x8192xi32>
    %eq3A_353 = arith.cmpi eq, %iota3A_206, %eq3A_352 : vector<32x8192xi32>
    %get3A_354 = arith.constant 0 : index
    %get3A_355 = arith.constant 0 : index
    %get3A_356 = vector.load %arg7[%get3A_354, %get3A_355] : memref<32x8192xf32, #tpu.memory_space<vmem>>, vector<32x8192xf32>
    %jit3A_357 = arith.constant 0x7F800000 : f32
    %broadcast_in_dim3A_358 = vector.broadcast %jit3A_357 : f32 to vector<32x8192xf32>
    %select_n3A_359 = arith.select %eq3A_353, %broadcast_in_dim3A_358, %get3A_356 : vector<32x8192xi1>, vector<32x8192xf32>
    %swap3A_360 = arith.constant 0 : index
    %swap3A_361 = arith.constant 0 : index
    %swap3A_362 = vector.load %arg7[%swap3A_360, %swap3A_361] : memref<32x8192xf32, #tpu.memory_space<vmem>>, vector<32x8192xf32>
    tpu.vector_store %arg7[%swap3A_360, %swap3A_361], %select_n3A_359 {strides = array<i32>} : memref<32x8192xf32, #tpu.memory_space<vmem>>, vector<32x8192xf32>,
    %get3A_363 = arith.constant 224 : index
    %get3A_364 = arith.constant 0 : index
    %get3A_365 = vector.load %arg5[%get3A_363, %get3A_364] : memref<256x8192xf32, #tpu.memory_space<vmem>>, vector<32x8192xf32>
    %get3A_366 = arith.constant 0 : index
    %get3A_367 = arith.constant 0 : index
    %get3A_368 = vector.load %arg7[%get3A_366, %get3A_367] : memref<32x8192xf32, #tpu.memory_space<vmem>>, vector<32x8192xf32>
    %add3A_369 = arith.addf %get3A_365, %get3A_368 : vector<32x8192xf32>
    %argmin3A_370 = tpu.reduce_index %add3A_369 {axis = 1 : i32, kind = #tpu.reduction_kind<arg_min>} : vector<32x8192xf32> -> vector<32xi32>
    %broadcast_in_dim3A_371 = vector.shape_cast %argmin3A_370 : vector<32xi32> to vector<32x1xi32>
    %swap3A_372 = arith.constant 32 : index
    %swap3A_373 = arith.constant 7 : index
    %swap3A_374 = vector.load %arg4[%swap3A_372, %swap3A_373] : memref<64x8xi32, #tpu.memory_space<vmem>>, vector<32x1xi32>
    tpu.vector_store %arg4[%swap3A_372, %swap3A_373], %broadcast_in_dim3A_371 {strides = array<i32>} : memref<64x8xi32, #tpu.memory_space<vmem>>, vector<32x1xi32>,
    return
  }
  func.func @transform_0(%arg0: i32) -> (i32, i32) {
    %min3A = arith.constant 15 : i32
    %min3A_0 = arith.minsi %arg0, %min3A : i32
    %add3A = arith.constant 0 : i32
    %add3A_1 = arith.addi %add3A, %min3A_0 : i32
    %c0_i32 = arith.constant 0 : i32
    %c0_i32_2 = arith.constant 0 : i32
    return %add3A_1, %c0_i32 : i32, i32
  }
  func.func @transform_1(%arg0: i32) -> (i32, i32) {
    %c0_i32 = arith.constant 0 : i32
    %c0_i32_0 = arith.constant 0 : i32
    %c0_i32_1 = arith.constant 0 : i32
    return %c0_i32, %c0_i32_0 : i32, i32
  }
  func.func @transform_2(%arg0: i32) -> (i32, i32) {
    %c0_i32 = arith.constant 0 : i32
    %c0_i32_0 = arith.constant 0 : i32
    %c0_i32_1 = arith.constant 0 : i32
    return %c0_i32, %c0_i32_0 : i32, i32
  }
  func.func @transform_3(%arg0: i32) -> (i32, i32) {
    %c0_i32 = arith.constant 0 : i32
    %c0_i32_0 = arith.constant 0 : i32
    return %arg0, %c0_i32 : i32, i32
  }
}

module attributes {stable_mosaic.version = 14 : i64} {
  func.func @_final_body(%arg0: i32, %arg1: memref<1024x256xf32, #tpu.memory_space<vmem>>, %arg2: memref<1024x256xf32, #tpu.memory_space<vmem>>, %arg3: memref<1024x256xf32, #tpu.memory_space<vmem>>, %arg4: memref<1x1x256xf32, #tpu.memory_space<vmem>>) attributes {dimension_semantics = [#tpu.dimension_semantics<arbitrary>], iteration_bounds = array<i64: 8>, scalar_prefetch = 0 : i64, scratch_operands = 0 : i64, tpu.core_type = #tpu.core_type<tc>, window_params = [{transform_indices = @transform_0, window_bounds = array<i64: 1024, 256>}, {transform_indices = @transform_1, window_bounds = array<i64: 1024, 256>}, {transform_indices = @transform_2, window_bounds = array<i64: 1024, 256>}, {transform_indices = @transform_3, window_bounds = array<i64: 1, 1, 256>}]} {
    %get3A = arith.constant 0 : index
    %get3A_0 = arith.constant 0 : index
    %get3A_1 = vector.load %arg1[%get3A, %get3A_0] : memref<1024x256xf32, #tpu.memory_space<vmem>>, vector<1024x256xf32>
    %get3A_2 = arith.constant 0 : index
    %get3A_3 = arith.constant 0 : index
    %get3A_4 = vector.load %arg2[%get3A_2, %get3A_3] : memref<1024x256xf32, #tpu.memory_space<vmem>>, vector<1024x256xf32>
    %sub3A = arith.subf %get3A_4, %get3A_1 : vector<1024x256xf32>
    %add3A = arith.addf %get3A_1, %sub3A : vector<1024x256xf32>
    %swap3A = arith.constant 0 : index
    %swap3A_5 = arith.constant 0 : index
    %swap3A_6 = vector.load %arg3[%swap3A, %swap3A_5] : memref<1024x256xf32, #tpu.memory_space<vmem>>, vector<1024x256xf32>
    tpu.vector_store %arg3[%swap3A, %swap3A_5], %add3A {strides = array<i32>} : memref<1024x256xf32, #tpu.memory_space<vmem>>, vector<1024x256xf32>,
    %mul3A = arith.mulf %sub3A, %sub3A : vector<1024x256xf32>
    %reduce_sum3A = arith.constant dense<0.000000e+00> : vector<256xf32>
    %reduce_sum3A_7 = vector.multi_reduction <add>, %mul3A, %reduce_sum3A [0] : vector<1024x256xf32> to vector<256xf32>
    %broadcast_in_dim3A = vector.shape_cast %reduce_sum3A_7 : vector<256xf32> to vector<1x256xf32>
    %broadcast_in_dim3A_8 = vector.shape_cast %broadcast_in_dim3A : vector<1x256xf32> to vector<1x1x256xf32>
    %swap3A_9 = arith.constant 0 : index
    %swap3A_10 = arith.constant 0 : index
    %swap3A_11 = arith.constant 0 : index
    %swap3A_12 = vector.load %arg4[%swap3A_9, %swap3A_10, %swap3A_11] : memref<1x1x256xf32, #tpu.memory_space<vmem>>, vector<1x1x256xf32>
    tpu.vector_store %arg4[%swap3A_9, %swap3A_10, %swap3A_11], %broadcast_in_dim3A_8 {strides = array<i32>} : memref<1x1x256xf32, #tpu.memory_space<vmem>>, vector<1x1x256xf32>,
    return
  }
  func.func @transform_0(%arg0: i32) -> (i32, i32) {
    %c0_i32 = arith.constant 0 : i32
    %c0_i32_0 = arith.constant 0 : i32
    return %arg0, %c0_i32 : i32, i32
  }
  func.func @transform_1(%arg0: i32) -> (i32, i32) {
    %c0_i32 = arith.constant 0 : i32
    %c0_i32_0 = arith.constant 0 : i32
    return %arg0, %c0_i32 : i32, i32
  }
  func.func @transform_2(%arg0: i32) -> (i32, i32) {
    %c0_i32 = arith.constant 0 : i32
    %c0_i32_0 = arith.constant 0 : i32
    return %arg0, %c0_i32 : i32, i32
  }
  func.func @transform_3(%arg0: i32) -> (i32, i32, i32) {
    %c0_i32 = arith.constant 0 : i32
    %c0_i32_0 = arith.constant 0 : i32
    %c0_i32_1 = arith.constant 0 : i32
    return %arg0, %c0_i32, %c0_i32_0 : i32, i32, i32
  }
}

</mosaic_0001>

<sc_bundles>
// kernel: kernel.6.cloned.1.call-start
scs
__scs_entry_jumppad:
0x0: {  	(pc) =	sbr.rel $0x88, $3  }
0x1: {  	(tag) =	ssettag $0x0;
	lr =	simm.s32 $0x1  }
0x2: {  	[smem:$0x3F9D] =	sst lr;
	_ =	strace $0xD0000000  }
0x3: {  	_ = 	snop  }
0x4: {  	_ = 	snop  }
0x5: {  	_ = 	snop  }
0x6: {  	_ = 	snop  }
0x7: {  	_ = 	snop  }
__scs_overlays_trampoline_lowered:
0x8: {  	[smem:$0x3FAC] =	sst s0  }
0x9: {  	[smem:$0x3FAD] =	sst s1  }
0xa: {  	[smem:$0x3FAE] =	sst s2  }
0xb: {  	[smem:$0x3FAF] =	sst s3  }
0xc: {  	[smem:$0x3FB0] =	sst s4  }
0xd: {  	[smem:$0x3FB1] =	sst s5  }
0xe: {  	[smem:$0x3FB2] =	sst s6  }
0xf: {  	[smem:$0x3FB3] =	sst s7  }
0x10: {  	[smem:$0x3FB4] =	sst s8  }
0x11: {  	[smem:$0x3FB5] =	sst s9;
	s0 =	simm.s32 @!p0 $0x0  }
0x12: {  	s1 =	sld [smem:$0x3F9B];
	s0 =	simm.s32 @p0 $0x1  }
0x13: {  	[smem:$0x3FB6] =	sst s0;
	s0 =	simm.s32 @!p1 $0x0  }
0x14: {  	s2 =	sld [smem:$0x3F9A];
	s0 =	simm.s32 @p1 $0x1  }
0x15: {  	[smem:$0x3FB7] =	sst s0;
	s0 =	simm.s32 @!p2 $0x0  }
0x16: {  	s3 =	sld [smem:$0x3FDB];
	s0 =	simm.s32 @p2 $0x1  }
0x17: {  	s4 =	simm.s32 $0x1BF5;
	[smem:$0x3FB9] =	sst s0  }
0x18: {  	s0 =	sld [smem:$0x3F9C];
	_ =	swait.ge [sflag:s4], $0x0  }
0x19: {  	s7 =	sld [smem:$0x3F9D]  }
0x1a: {  	s8 =	sadd.s32 $0xFFFFE003, lr  }
0x1b: {  	s9 =	sadd.s32 $0xFFFFFEF7, lr;
	s5 =	simm.s32 $0xFFFFFFFF;
	p2 =	slt.u32 s8, $0xFFFFF086  }
0x1c: {  	p1 =	slt.u32 s9, $0xF7A;
	s5 =	simm.s32 @!p2 $0x0  }
0x1d: {  	s5 =	simm.s32 @p1 $0x1;
	p0 =	seq.s32 s7, s2  }
0x1e: {  	s7 =	smul.u32 @!p0 $0xF7A, s2;
	p2 =	seq.s32 @!p0 s5, $0x0  }
0x1f: {  	s9 =	smul.u32 $0xF7A, s1;
	s8 =	simm.s32 @!p0 $0x1BF5;
	p2 =	por !p2, p0  }
0x20: {  	[sflag:s8] =	ssyncset.s32 @!p0 $0xFFFFF086;
	s6 =	sadd.s32 @!p0 s3, s7;
	s7 =	simm.s32 @!p0 $0x108  }
0x21: {  	s3 =	sadd.s32 s3, s9;
	s6 =	sadd.s32 @!p0 $0x88, s6;
	s7 =	simm.s32 @p2 $0x1082  }
0x22: {  	[simem:s7], [sflag:s8] =	dma.local @!p0 [hbm:s6], $0xF7A  }
0x23: {  	s9 =	sor.u32 $0xD0000000, s2;
	s6 =	simm.s32 $0x108;
	_ =	swait.ge @!p0 [sflag:s8], $0x0  }
0x24: {  	s3 =	sadd.s32 $0x88, s3;
	s6 =	simm.s32 @!p1 $0x1082;
	[sflag:s4] =	ssyncset.s32 $0xFFFFF086  }
0x25: {  	[simem:s6], [sflag:s4] =	dma.local [hbm:s3], $0xF7A  }
0x26: {  	[smem:$0x3F9D] =	sst s1;
	(tag) =	ssettag s2;
	_ =	strace s9  }
0x27: {  	s1 =	sld [smem:$0x3FAD]  }
0x28: {  	s2 =	sld [smem:$0x3FAE]  }
0x29: {  	s4 =	sld [smem:$0x3FB0]  }
0x2a: {  	p0 =	seq.s32 s5, $0x0;
	s5 =	sld [smem:$0x3FB1]  }
0x2b: {  	s6 =	sld [smem:$0x3FB2]  }
0x2c: {  	s7 =	sld [smem:$0x3FB3]  }
0x2d: {  	s3 =	simm.s32 $0x108;
	s8 =	sld [smem:$0x3FB4]  }
0x2e: {  	s3 =	simm.s32 @!p0 $0x1082;
	s9 =	sld [smem:$0x3FB5]  }
0x2f: {  	lr =	sadd.s32 s0, s3;
	s0 =	sld [smem:$0x3FAC]  }
0x30: {  	s3 =	sld [smem:$0x3FAF]  }
0x31: {  	[smem:$0x3FB8] =	sst s10  }
0x32: {  	s10 =	sld [smem:$0x3FB6];
	_ =	sdelay $0x3  }
0x33: {  	p0 =	seq.s32 s10, $0x1;
	s10 =	sld [smem:$0x3FB8];
	_ =	sdelay $0x3  }
0x34: {  	[smem:$0x3FB8] =	sst s10  }
0x35: {  	s10 =	sld [smem:$0x3FB7];
	_ =	sdelay $0x3  }
0x36: {  	p1 =	seq.s32 s10, $0x1;
	s10 =	sld [smem:$0x3FB8];
	_ =	sdelay $0x3  }
0x37: {  	[smem:$0x3FB8] =	sst s10  }
0x38: {  	s10 =	sld [smem:$0x3FB9]  }
0x39: {  	_ = 	snop;
	(pc) =	sbr.ind lr, $3  }
0x3a: {  	_ = 	snop  }
0x3b: {  	_ = 	snop  }
0x3c: {  	p2 =	seq.s32 s10, $0x1;
	s10 =	sld [smem:$0x3FB8]  }
0x3d: {  	_ =	shalt  }
0x3e: {  	_ =	shalt  }
0x3f: {  	_ =	shalt  }
0x40: {  	_ =	shalt  }
0x41: {  	_ =	shalt  }
0x42: {  	_ =	shalt  }
0x43: {  	_ =	shalt  }
0x44: {  	_ =	shalt  }
0x45: {  	_ =	shalt  }
0x46: {  	_ =	shalt  }
0x47: {  	_ =	shalt  }
0x48: {  	_ =	shalt  }
0x49: {  	_ =	shalt  }
0x4a: {  	_ =	shalt  }
0x4b: {  	_ =	shalt  }
0x4c: {  	_ =	shalt  }
0x4d: {  	_ =	shalt  }
0x4e: {  	_ =	shalt  }
0x4f: {  	_ =	shalt  }
0x50: {  	_ =	shalt  }
0x51: {  	_ =	shalt  }
0x52: {  	_ =	shalt  }
0x53: {  	_ =	shalt  }
0x54: {  	_ =	shalt  }
0x55: {  	_ =	shalt  }
0x56: {  	_ =	shalt  }
0x57: {  	_ =	shalt  }
0x58: {  	_ =	shalt  }
0x59: {  	_ =	shalt  }
0x5a: {  	_ =	shalt  }
0x5b: {  	_ =	shalt  }
0x5c: {  	_ =	shalt  }
0x5d: {  	_ =	shalt  }
0x5e: {  	_ =	shalt  }
0x5f: {  	_ =	shalt  }
0x60: {  	_ =	shalt  }
0x61: {  	_ =	shalt  }
0x62: {  	_ =	shalt  }
0x63: {  	_ =	shalt  }
0x64: {  	_ =	shalt  }
0x65: {  	_ =	shalt  }
0x66: {  	_ =	shalt  }
0x67: {  	_ =	shalt  }
0x68: {  	_ =	shalt  }
0x69: {  	_ =	shalt  }
0x6a: {  	_ =	shalt  }
0x6b: {  	_ =	shalt  }
0x6c: {  	_ =	shalt  }
0x6d: {  	_ =	shalt  }
0x6e: {  	_ =	shalt  }
0x6f: {  	_ =	shalt  }
0x70: {  	_ =	shalt  }
0x71: {  	_ =	shalt  }
0x72: {  	_ =	shalt  }
0x73: {  	_ =	shalt  }
0x74: {  	_ =	shalt  }
0x75: {  	_ =	shalt  }
0x76: {  	_ =	shalt  }
0x77: {  	_ =	shalt  }
0x78: {  	_ =	shalt  }
0x79: {  	_ =	shalt  }
0x7a: {  	_ =	shalt  }
0x7b: {  	_ =	shalt  }
0x7c: {  	_ =	shalt  }
0x7d: {  	_ =	shalt  }
0x7e: {  	_ =	shalt  }
0x7f: {  	_ =	shalt  }
0x80: {  	_ =	shalt  }
0x81: {  	_ =	shalt  }
0x82: {  	_ =	shalt  }
0x83: {  	_ =	shalt  }
0x84: {  	_ =	shalt  }
0x85: {  	_ =	shalt  }
0x86: {  	_ =	shalt  }
0x87: {  	_ =	shalt  }
.Lfunc_end0:
.L_simem_size_0:
called_computation_lowered:
.L_overlay_start_0:
0x88: {  	s2 =	sld [smem:$0x3FD9]  }
0x89: {  	s3 =	sld [smem:$0x3FFE];
	_ =	sdelay $0x1  }
0x8a: {  	s1 =	srdreg.scid  }
0x8b: {  	s0 =	sand.u32 $0x1, s1  }
0x8c: {  	s14 =	sshll.u32 s0, $0xA;
	s2 =	sadd.s32 s3, s2  }
0x8d: {  	s2 =	sadd.s32 s2, s14  }
0x8e: {  	[smem:$0x3FC4] =	sst s2  }
0x8f: {  	_ = 	snop  }
0x90: {  	s2 =	sld [smem:$0x3FD0];
	_ =	sdelay $0x2  }
0x91: {  	s15 =	simm.s32 $0xA;
	s4 =	simm.s32 $0x10  }
0x92: {  	[smem:s4], [sflag:s15] =	dma.local [hbm:s2], $0x1  }
0x93: {  	_ =	swait.eq [sflag:s15], $0x1  }
0x94: {  	[sflag:s15] =	ssyncset.done $0x0  }
0x95: {  	[sflag:s15] =	ssyncadd.s32 $0xFFFFFFFF  }
0x96: {  	s16 =	sld [smem:$0x10];
	(tm) =	ssettm $0x1  }
0x97: {  	s17 =	sld [smem:$0x3FFB];
	_ =	sdelay $0x3  }
0x98: {  	_ =	strace s17  }
0x99: {  	s3 =	sld [smem:$0x3FFC];
	_ =	sdelay $0x3  }
0x9a: {  	_ =	strace s3  }
0x9b: {  	s3 =	sld [smem:$0x3FFD];
	_ =	sdelay $0x3  }
0x9c: {  	_ =	strace s3  }
0x9d: {  	_ =	strace $0x8FFFFFFF  }
0x9e: {  	s18 =	sld [smem:$0x3FDB];
	_ =	sdelay $0x1  }
0x9f: {  	s19 =	simm.s32 $_scs_section_size  }
0xa0: {  	s5 =	simm.s32 $_size__tile_overlayer_lowered;
	s6 =	simm.s32 $_tile_overlayer_lowered  }
0xa1: {  	s22 =	simm.s32 $0x1BFF;
	s21 =	sshll.u32 s6, $0x1;
	s3 =	sadd.s32 s19, s18  }
0xa2: {  	s7 =	simm.s32 $0x0;
	s20 =	sshll.u32 s5, $0x1;
	s5 =	sadd.s32 s21, s3  }
0xa3: {  	[timem:s7], [sflag:s22] =	dma.local [hbm:s5], s20  }
0xa4: {  	_ =	swait.ge [sflag:s22], s20  }
0xa5: {  	s4 =	ssub.s32 $0x0, s20;
	[sflag:s22] =	ssyncset.done $0x0  }
0xa6: {  	[sflag:s22] =	ssyncadd.s32 s4;
	_ =	sdelay $0x1  }
0xa7: {  	s23 =	simm.s32 $0x1B8B  }
0xa8: {  	_ =	swait.ge [sflag:s23], $0x1  }
0xa9: {  	[sflag:s23] =	ssyncset.done $0x0  }
0xaa: {  	s25 =	simm.s32 $0x1B8E;
	s24 =	sld [smem:$0x3FFE];
	[sflag:s23] =	ssyncadd.s32 $0xFFFFFFFF  }
0xab: {  	s26 =	simm.s32 $execute0_lowered;
	[smem:$0x3FD2] =	sst s25  }
0xac: {  	s5 =	sshll.u32 s26, $0x1;
	_ =	strace $0x80000046;
	[dreg:$0x1] =	wrdreg $0xFFFFFFFF  }
0xad: {  	s28 =	simm.s32 $_size_execute0_lowered;
	s3 =	sadd.s32 s3, s5;
	[dreg:$0x0] =	wrdreg $0x0  }
0xae: {  	s5 =	sshll.u32 s28, $0x1;
	[dreg:$0x2] =	wrdreg s3  }
0xaf: {  	[dreg:$0x3] =	wrdreg s5  }
0xb0: {  	[dreg:$0x4] =	wrdreg $0xC0  }
0xb1: {  	_ =	task [dreg:s7], $0x5FFFF  }
0xb2: {  	[dreg:$0x1] =	wrdreg $0xFFFFFFFF  }
0xb3: {  	[dreg:$0x0] =	wrdreg $0x60  }
0xb4: {  	[dreg:$0x2] =	wrdreg s16  }
0xb5: {  	[dreg:$0x3] =	wrdreg s24  }
0xb6: {  	[dreg:$0x4] =	wrdreg $0x9  }
0xb7: {  	_ =	task.clear_ibuf [dreg:s7], $0x5FFFF;
	_ =	strace $0x90000046  }
0xb8: {  	s29 =	simm.s32 $0x9;
	_ =	strace $0x80000048  }
0xb9: {  	_ =	swait.ge [sflag:s29], $0x1  }
0xba: {  	[sflag:s29] =	ssyncadd.s32 $0xFFFFFFFF  }
0xbb: {  	_ =	strace $0x90000048  }
0xbc: {  	_ =	sfence  }
0xbd: {  	s30 =	sld [smem:$0x0];
	_ =	sdelay $0x2  }
0xbe: {  	s31 =	sshll.u32 s1, $0xD;
	s1 =	sshrl.u32 s1, $0x2  }
0xbf: {  	s3 =	sand.u32 $0x4000, s31;
	s1 =	sadd.s32 s1, s30  }
0xc0: {  	s0 =	sor.u32 s3, s0;
	s1 =	sshll.u32 s1, $0x11  }
0xc1: {  	s0 =	sor.u32 s1, s0  }
0xc2: {  	s0 =	sadd.s32 $0x8F2B, s0  }
0xc3: {  	[sflag:s0] =	ssyncadd.remote.s32 $0x1  }
0xc4: {  	_ =	sfence.sel $0xFFFF  }
0xc5: {  	[dreg:$0x0] =	wrdreg $0xFFFFFFFF;
	(pc) =	sbr.abs _section_cstart, $3  }
0xc6: {  	[dreg:$0x1] =	wrdreg $0xFFFFFFFF  }
0xc7: {  	_ =	task.clear_ibuf [dreg:s7], $0x2FFFF;
	_ =	strace $0x9FFFFFFF  }
0xc8: {  	(tm) =	ssettm $0x7FFFFFFF  }
0xc9: {  	_ =	shalt  }
tec
execute0_lowered:
.L_overlay_start_1:
0x0: {  	(tag) =	ssettag $0x1  }
0x1: {  	s1 =	srdreg.scid  }
0x2: {  	s0 =	stileid.u32;
	s2 =	rddreg [dreg:$0x0]  }
0x3: {  	s5 =	rddreg [dreg:$0x1];
	s19 =	simm.s32 $0x900;
	s20 =	simm.s32 $0x1100  }
0x4: {  	s21 =	simm.s32 $0x1900;
	s23 =	simm.s32 $0x2100;
	s24 =	simm.s32 $0x2900  }
0x5: {  	s25 =	simm.s32 $0x3100;
	s26 =	simm.s32 $0x3900;
	s8 =	simm.s32 $0x4900  }
0x6: {  	s9 =	simm.s32 $0x5100;
	s10 =	simm.s32 $0x5900;
	s11 =	simm.s32 $0x6100  }
0x7: {  	s12 =	simm.s32 $0x6900;
	s13 =	simm.s32 $0x7100;
	s1 =	sand.u32 $0x1, s1  }
0x8: {  	s14 =	simm.s32 $0x7900;
	s3 =	sshll.u32 s0, $0x9;
	s4 =	sshll.u32 s1, $0x8  }
0x9: {  	s15 =	simm.s32 $0x8100;
	s4 =	sor.u32 s4, s3;
	s3 =	simm.s32 $0x0  }
0xa: {  	s16 =	simm.s32 $0x8900;
	s17 =	simm.s32 $0x9100;
	[smem:$0x7FF] =	sst s3  }
0xb: {  	s28 =	simm.s32 $0xE100;
	_ =	strace $0x80000047;
	[dreg:$0x5] =	wrdreg s19  }
0xc: {  	s29 =	simm.s32 $0xE900;
	s30 =	simm.s32 $0xF100;
	[dreg:$0x6] =	wrdreg s20  }
0xd: {  	s31 =	simm.s32 $0xF900;
	s1 =	ssub.s32 $0x2, s1;
	[dreg:$0x7] =	wrdreg s21  }
0xe: {  	s22 =	sshrl.u32 s1, $0x1;
	s6 =	sshrl.u32 s4, $0x3;
	[dreg:$0x8] =	wrdreg s23  }
0xf: {  	s4 =	sshll.u32 s4, $0x5;
	s1 =	ssub.s32 s1, s22;
	[dreg:$0x9] =	wrdreg s24  }
0x10: {  	s22 =	simm.s32 $0xB900;
	s6 =	sadd.s32 s6, s5;
	[dreg:$0xa] =	wrdreg s25  }
0x11: {  	s4 =	sadd.s32 s4, s5;
	s5 =	simm.s32 $0x2;
	[dreg:$0xb] =	wrdreg s26  }
0x12: {  	s19 =	simm.s32 $0xA100;
	s20 =	simm.s32 $0xA900;
	s21 =	simm.s32 $0xB100  }
0x13: {  	s23 =	simm.s32 $0xC100;
	s24 =	simm.s32 $0xC900;
	s18 =	sadd.s32 $0xC00, s6  }
0x14: {  	v2 =	vlaneseq.u32;
	s25 =	simm.s32 $0xD100;
	s4 =	sadd.s32 $0x1000, s4;
	[dreg:$0x3] =	wrdreg s18  }
0x15: {  	vm0 =	vmmov $0xffff;
	v1 =	vshrl.u32 v2, $0x3;
	s26 =	simm.s32 $0xD900;
	s6 =	simm.s32 $0x100;
	[dreg:$0x4] =	wrdreg s4  }
0x16: {  	v0 =	vand.u32 $0x7, v2;
	v2 =	vor.u32 $0x8, v2;
	v1 =	vmul.u32 $0x8, v1;
	s4 =	smax.u32 s1, $0x1;
	s18 =	simm.s32 $0x9900;
	s1 =	simm.s32 $0x1  }
.LBB2_1:
0x17: {  	s0 =	rddreg [dreg:$0x3]  }
0x18: {  	[tilespmem:s3], [sflag:$0x2] =	stream.linear.gather [hbm4b:s0+s3], $0x100, $0x38;
	[tilespmem:$0x10100] =	vst v63  }
0x19: {  	_ =	swait.ge [sflag:s5], $0x100  }
0x1a: {  	[sflag:s5] =	ssyncset.done $0x0  }
0x1b: {  	[sflag:s5] =	ssyncadd.s32 $0xFFFFFF00  }
0x1c: {  	v3 =	vld [tilespmem:$0x0];
	_ =	sdelay $0x4  }
0x1d: {  	v4 =	vshll.u32 v3, $0x1  }
0x1e: {  	v3 =	vand.u32 $0x7, v3;
	v4 =	vand.u32 $0xFFFFFFF0, v4  }
0x1f: {  	v3 =	vor.u32 v3, v4  }
0x20: {  	v4 =	vperm.xlane v3, v0;
	_ =	sdelay $0x1  }
0x21: {  	v3 =	vperm.xlane v3, v2;
	v4 =	vadd.s32 v1, v4;
	_ =	sdelay $0x1  }
0x22: {  	v3 =	vadd.s32 v1, v3;
	_ =	sdelay $0x2  }
0x23: {  	[tilespmem:s6], [sflag:$0x1] =	stream.indirect_vreg.gather [hbm4b:s2+s3], $0x80, v4, vm0, $0xb8;
	[tilespmem:$0x10100] =	vst v63  }
0x24: {  	s7 =	rddreg [dreg:$0x5]  }
0x25: {  	[tilespmem:s7], [sflag:$0x1] =	stream.indirect_vreg.gather [hbm4b:s2+s3], $0x80, v3, vm0, $0xb8;
	[tilespmem:$0x10100] =	vst v63  }
0x26: {  	v3 =	vld [tilespmem:$0x10];
	_ =	sdelay $0x4  }
0x27: {  	v49 =	vshll.u32 v3, $0x1  }
0x28: {  	v3 =	vand.u32 $0x7, v3;
	v4 =	vand.u32 $0xFFFFFFF0, v49  }
0x29: {  	v3 =	vor.u32 v3, v4  }
0x2a: {  	v4 =	vperm.xlane v3, v0;
	_ =	sdelay $0x1  }
0x2b: {  	v3 =	vperm.xlane v3, v2;
	v4 =	vadd.s32 v1, v4;
	_ =	sdelay $0x1  }
0x2c: {  	v3 =	vadd.s32 v1, v3;
	_ =	sdelay $0x1  }
0x2d: {  	s0 =	rddreg [dreg:$0x6]  }
0x2e: {  	[tilespmem:s0], [sflag:$0x1] =	stream.indirect_vreg.gather [hbm4b:s2+s3], $0x80, v4, vm0, $0xb8;
	[tilespmem:$0x10100] =	vst v63  }
0x2f: {  	s7 =	rddreg [dreg:$0x7]  }
0x30: {  	[tilespmem:s7], [sflag:$0x1] =	stream.indirect_vreg.gather [hbm4b:s2+s3], $0x80, v3, vm0, $0xb8;
	[tilespmem:$0x10100] =	vst v63  }
0x31: {  	v3 =	vld [tilespmem:$0x20];
	_ =	sdelay $0x4  }
0x32: {  	v50 =	vshll.u32 v3, $0x1  }
0x33: {  	v3 =	vand.u32 $0x7, v3;
	v4 =	vand.u32 $0xFFFFFFF0, v50  }
0x34: {  	v3 =	vor.u32 v3, v4  }
0x35: {  	v4 =	vperm.xlane v3, v0;
	_ =	sdelay $0x1  }
0x36: {  	v3 =	vperm.xlane v3, v2;
	v4 =	vadd.s32 v1, v4;
	_ =	sdelay $0x1  }
0x37: {  	v3 =	vadd.s32 v1, v3;
	_ =	sdelay $0x1  }
0x38: {  	s0 =	rddreg [dreg:$0x8]  }
0x39: {  	[tilespmem:s0], [sflag:$0x1] =	stream.indirect_vreg.gather [hbm4b:s2+s3], $0x80, v4, vm0, $0xb8;
	[tilespmem:$0x10100] =	vst v63  }
0x3a: {  	s7 =	rddreg [dreg:$0x9]  }
0x3b: {  	[tilespmem:s7], [sflag:$0x1] =	stream.indirect_vreg.gather [hbm4b:s2+s3], $0x80, v3, vm0, $0xb8;
	[tilespmem:$0x10100] =	vst v63  }
0x3c: {  	v3 =	vld [tilespmem:$0x30];
	_ =	sdelay $0x4  }
0x3d: {  	v51 =	vshll.u32 v3, $0x1  }
0x3e: {  	v3 =	vand.u32 $0x7, v3;
	v4 =	vand.u32 $0xFFFFFFF0, v51  }
0x3f: {  	v3 =	vor.u32 v3, v4  }
0x40: {  	v4 =	vperm.xlane v3, v0;
	_ =	sdelay $0x1  }
0x41: {  	v3 =	vperm.xlane v3, v2;
	v4 =	vadd.s32 v1, v4;
	_ =	sdelay $0x1  }
0x42: {  	v3 =	vadd.s32 v1, v3;
	_ =	sdelay $0x1  }
0x43: {  	s0 =	rddreg [dreg:$0xa]  }
0x44: {  	[tilespmem:s0], [sflag:$0x1] =	stream.indirect_vreg.gather [hbm4b:s2+s3], $0x80, v4, vm0, $0xb8;
	[tilespmem:$0x10100] =	vst v63  }
0x45: {  	s7 =	rddreg [dreg:$0xb]  }
0x46: {  	[tilespmem:s7], [sflag:$0x1] =	stream.indirect_vreg.gather [hbm4b:s2+s3], $0x80, v3, vm0, $0xb8;
	[tilespmem:$0x10100] =	vst v63  }
0x47: {  	v3 =	vld [tilespmem:$0x40];
	_ =	sdelay $0x4  }
0x48: {  	v52 =	vshll.u32 v3, $0x1  }
0x49: {  	v3 =	vand.u32 $0x7, v3;
	v4 =	vand.u32 $0xFFFFFFF0, v52  }
0x4a: {  	v3 =	vor.u32 v3, v4  }
0x4b: {  	v4 =	vperm.xlane v3, v0;
	_ =	sdelay $0x1  }
0x4c: {  	v3 =	vperm.xlane v3, v2;
	v4 =	vadd.s32 v1, v4;
	_ =	sdelay $0x1  }
0x4d: {  	v3 =	vadd.s32 v1, v3;
	_ =	sdelay $0x1  }
0x4e: {  	s7 =	simm.s32 $0x4100  }
0x4f: {  	[tilespmem:s7], [sflag:$0x1] =	stream.indirect_vreg.gather [hbm4b:s2+s3], $0x80, v4, vm0, $0xb8;
	[tilespmem:$0x10100] =	vst v63  }
0x50: {  	_ = 	snop  }
0x51: {  	[tilespmem:s8], [sflag:$0x1] =	stream.indirect_vreg.gather [hbm4b:s2+s3], $0x80, v3, vm0, $0xb8;
	[tilespmem:$0x10100] =	vst v63  }
0x52: {  	v3 =	vld [tilespmem:$0x50];
	_ =	sdelay $0x4  }
0x53: {  	v53 =	vshll.u32 v3, $0x1  }
0x54: {  	v3 =	vand.u32 $0x7, v3;
	v4 =	vand.u32 $0xFFFFFFF0, v53  }
0x55: {  	v3 =	vor.u32 v3, v4  }
0x56: {  	v4 =	vperm.xlane v3, v0;
	_ =	sdelay $0x1  }
0x57: {  	v3 =	vperm.xlane v3, v2;
	v4 =	vadd.s32 v1, v4;
	_ =	sdelay $0x1  }
0x58: {  	v3 =	vadd.s32 v1, v3;
	_ =	sdelay $0x2  }
0x59: {  	[tilespmem:s9], [sflag:$0x1] =	stream.indirect_vreg.gather [hbm4b:s2+s3], $0x80, v4, vm0, $0xb8;
	[tilespmem:$0x10100] =	vst v63  }
0x5a: {  	_ = 	snop  }
0x5b: {  	[tilespmem:s10], [sflag:$0x1] =	stream.indirect_vreg.gather [hbm4b:s2+s3], $0x80, v3, vm0, $0xb8;
	[tilespmem:$0x10100] =	vst v63  }
0x5c: {  	v3 =	vld [tilespmem:$0x60];
	_ =	sdelay $0x4  }
0x5d: {  	v54 =	vshll.u32 v3, $0x1  }
0x5e: {  	v3 =	vand.u32 $0x7, v3;
	v4 =	vand.u32 $0xFFFFFFF0, v54  }
0x5f: {  	v3 =	vor.u32 v3, v4  }
0x60: {  	v4 =	vperm.xlane v3, v0;
	_ =	sdelay $0x1  }
0x61: {  	v3 =	vperm.xlane v3, v2;
	v4 =	vadd.s32 v1, v4;
	_ =	sdelay $0x1  }
0x62: {  	v3 =	vadd.s32 v1, v3;
	_ =	sdelay $0x2  }
0x63: {  	[tilespmem:s11], [sflag:$0x1] =	stream.indirect_vreg.gather [hbm4b:s2+s3], $0x80, v4, vm0, $0xb8;
	[tilespmem:$0x10100] =	vst v63  }
0x64: {  	_ = 	snop  }
0x65: {  	[tilespmem:s12], [sflag:$0x1] =	stream.indirect_vreg.gather [hbm4b:s2+s3], $0x80, v3, vm0, $0xb8;
	[tilespmem:$0x10100] =	vst v63  }
0x66: {  	v3 =	vld [tilespmem:$0x70];
	_ =	sdelay $0x4  }
0x67: {  	v55 =	vshll.u32 v3, $0x1  }
0x68: {  	v3 =	vand.u32 $0x7, v3;
	v4 =	vand.u32 $0xFFFFFFF0, v55  }
0x69: {  	v3 =	vor.u32 v3, v4  }
0x6a: {  	v4 =	vperm.xlane v3, v0;
	_ =	sdelay $0x1  }
0x6b: {  	v3 =	vperm.xlane v3, v2;
	v4 =	vadd.s32 v1, v4;
	_ =	sdelay $0x1  }
0x6c: {  	v3 =	vadd.s32 v1, v3;
	_ =	sdelay $0x2  }
0x6d: {  	[tilespmem:s13], [sflag:$0x1] =	stream.indirect_vreg.gather [hbm4b:s2+s3], $0x80, v4, vm0, $0xb8;
	[tilespmem:$0x10100] =	vst v63  }
0x6e: {  	_ = 	snop  }
0x6f: {  	[tilespmem:s14], [sflag:$0x1] =	stream.indirect_vreg.gather [hbm4b:s2+s3], $0x80, v3, vm0, $0xb8;
	[tilespmem:$0x10100] =	vst v63  }
0x70: {  	v3 =	vld [tilespmem:$0x80];
	_ =	sdelay $0x4  }
0x71: {  	v56 =	vshll.u32 v3, $0x1  }
0x72: {  	v3 =	vand.u32 $0x7, v3;
	v4 =	vand.u32 $0xFFFFFFF0, v56  }
0x73: {  	v3 =	vor.u32 v3, v4  }
0x74: {  	v4 =	vperm.xlane v3, v0;
	_ =	sdelay $0x1  }
0x75: {  	v3 =	vperm.xlane v3, v2;
	v4 =	vadd.s32 v1, v4;
	_ =	sdelay $0x1  }
0x76: {  	v3 =	vadd.s32 v1, v3;
	_ =	sdelay $0x2  }
0x77: {  	[tilespmem:s15], [sflag:$0x1] =	stream.indirect_vreg.gather [hbm4b:s2+s3], $0x80, v4, vm0, $0xb8;
	[tilespmem:$0x10100] =	vst v63  }
0x78: {  	_ = 	snop  }
0x79: {  	[tilespmem:s16], [sflag:$0x1] =	stream.indirect_vreg.gather [hbm4b:s2+s3], $0x80, v3, vm0, $0xb8;
	[tilespmem:$0x10100] =	vst v63  }
0x7a: {  	v3 =	vld [tilespmem:$0x90];
	_ =	sdelay $0x4  }
0x7b: {  	v57 =	vshll.u32 v3, $0x1  }
0x7c: {  	v3 =	vand.u32 $0x7, v3;
	v4 =	vand.u32 $0xFFFFFFF0, v57  }
0x7d: {  	v3 =	vor.u32 v3, v4  }
0x7e: {  	v4 =	vperm.xlane v3, v0;
	_ =	sdelay $0x1  }
0x7f: {  	v3 =	vperm.xlane v3, v2;
	v4 =	vadd.s32 v1, v4;
	_ =	sdelay $0x1  }
0x80: {  	v3 =	vadd.s32 v1, v3;
	_ =	sdelay $0x2  }
0x81: {  	[tilespmem:s17], [sflag:$0x1] =	stream.indirect_vreg.gather [hbm4b:s2+s3], $0x80, v4, vm0, $0xb8;
	[tilespmem:$0x10100] =	vst v63  }
0x82: {  	_ = 	snop  }
0x83: {  	[tilespmem:s18], [sflag:$0x1] =	stream.indirect_vreg.gather [hbm4b:s2+s3], $0x80, v3, vm0, $0xb8;
	[tilespmem:$0x10100] =	vst v63  }
0x84: {  	v3 =	vld [tilespmem:$0xA0];
	_ =	sdelay $0x4  }
0x85: {  	v58 =	vshll.u32 v3, $0x1  }
0x86: {  	v3 =	vand.u32 $0x7, v3;
	v4 =	vand.u32 $0xFFFFFFF0, v58  }
0x87: {  	v3 =	vor.u32 v3, v4  }
0x88: {  	v4 =	vperm.xlane v3, v0;
	_ =	sdelay $0x1  }
0x89: {  	v3 =	vperm.xlane v3, v2;
	v4 =	vadd.s32 v1, v4;
	_ =	sdelay $0x1  }
0x8a: {  	v3 =	vadd.s32 v1, v3;
	_ =	sdelay $0x2  }
0x8b: {  	[tilespmem:s19], [sflag:$0x1] =	stream.indirect_vreg.gather [hbm4b:s2+s3], $0x80, v4, vm0, $0xb8;
	[tilespmem:$0x10100] =	vst v63  }
0x8c: {  	_ = 	snop  }
0x8d: {  	[tilespmem:s20], [sflag:$0x1] =	stream.indirect_vreg.gather [hbm4b:s2+s3], $0x80, v3, vm0, $0xb8;
	[tilespmem:$0x10100] =	vst v63  }
0x8e: {  	v3 =	vld [tilespmem:$0xB0];
	_ =	sdelay $0x4  }
0x8f: {  	v59 =	vshll.u32 v3, $0x1  }
0x90: {  	v3 =	vand.u32 $0x7, v3;
	v4 =	vand.u32 $0xFFFFFFF0, v59  }
0x91: {  	v3 =	vor.u32 v3, v4  }
0x92: {  	v4 =	vperm.xlane v3, v0;
	_ =	sdelay $0x1  }
0x93: {  	v3 =	vperm.xlane v3, v2;
	v4 =	vadd.s32 v1, v4;
	_ =	sdelay $0x1  }
0x94: {  	v3 =	vadd.s32 v1, v3;
	_ =	sdelay $0x2  }
0x95: {  	[tilespmem:s21], [sflag:$0x1] =	stream.indirect_vreg.gather [hbm4b:s2+s3], $0x80, v4, vm0, $0xb8;
	[tilespmem:$0x10100] =	vst v63  }
0x96: {  	_ = 	snop  }
0x97: {  	[tilespmem:s22], [sflag:$0x1] =	stream.indirect_vreg.gather [hbm4b:s2+s3], $0x80, v3, vm0, $0xb8;
	[tilespmem:$0x10100] =	vst v63  }
0x98: {  	v3 =	vld [tilespmem:$0xC0];
	_ =	sdelay $0x4  }
0x99: {  	v60 =	vshll.u32 v3, $0x1  }
0x9a: {  	v3 =	vand.u32 $0x7, v3;
	v4 =	vand.u32 $0xFFFFFFF0, v60  }
0x9b: {  	v3 =	vor.u32 v3, v4  }
0x9c: {  	v4 =	vperm.xlane v3, v0;
	_ =	sdelay $0x1  }
0x9d: {  	v3 =	vperm.xlane v3, v2;
	v4 =	vadd.s32 v1, v4;
	_ =	sdelay $0x1  }
0x9e: {  	v3 =	vadd.s32 v1, v3;
	_ =	sdelay $0x2  }
0x9f: {  	[tilespmem:s23], [sflag:$0x1] =	stream.indirect_vreg.gather [hbm4b:s2+s3], $0x80, v4, vm0, $0xb8;
	[tilespmem:$0x10100] =	vst v63  }
0xa0: {  	_ = 	snop  }
0xa1: {  	[tilespmem:s24], [sflag:$0x1] =	stream.indirect_vreg.gather [hbm4b:s2+s3], $0x80, v3, vm0, $0xb8;
	[tilespmem:$0x10100] =	vst v63  }
0xa2: {  	v3 =	vld [tilespmem:$0xD0];
	_ =	sdelay $0x4  }
0xa3: {  	v61 =	vshll.u32 v3, $0x1  }
0xa4: {  	v3 =	vand.u32 $0x7, v3;
	v4 =	vand.u32 $0xFFFFFFF0, v61  }
0xa5: {  	v3 =	vor.u32 v3, v4  }
0xa6: {  	v4 =	vperm.xlane v3, v0;
	_ =	sdelay $0x1  }
0xa7: {  	v3 =	vperm.xlane v3, v2;
	v4 =	vadd.s32 v1, v4;
	_ =	sdelay $0x1  }
0xa8: {  	v3 =	vadd.s32 v1, v3;
	_ =	sdelay $0x2  }
0xa9: {  	[tilespmem:s25], [sflag:$0x1] =	stream.indirect_vreg.gather [hbm4b:s2+s3], $0x80, v4, vm0, $0xb8;
	[tilespmem:$0x10100] =	vst v63  }
0xaa: {  	_ = 	snop  }
0xab: {  	[tilespmem:s26], [sflag:$0x1] =	stream.indirect_vreg.gather [hbm4b:s2+s3], $0x80, v3, vm0, $0xb8;
	[tilespmem:$0x10100] =	vst v63  }
0xac: {  	v3 =	vld [tilespmem:$0xE0];
	_ =	sdelay $0x4  }
0xad: {  	v62 =	vshll.u32 v3, $0x1  }
0xae: {  	v3 =	vand.u32 $0x7, v3;
	v4 =	vand.u32 $0xFFFFFFF0, v62  }
0xaf: {  	v3 =	vor.u32 v3, v4  }
0xb0: {  	v4 =	vperm.xlane v3, v0;
	_ =	sdelay $0x1  }
0xb1: {  	v3 =	vperm.xlane v3, v2;
	v4 =	vadd.s32 v1, v4;
	_ =	sdelay $0x1  }
0xb2: {  	v3 =	vadd.s32 v1, v3;
	_ =	sdelay $0x2  }
0xb3: {  	[tilespmem:s28], [sflag:$0x1] =	stream.indirect_vreg.gather [hbm4b:s2+s3], $0x80, v4, vm0, $0xb8;
	[tilespmem:$0x10100] =	vst v63  }
0xb4: {  	_ = 	snop  }
0xb5: {  	[tilespmem:s29], [sflag:$0x1] =	stream.indirect_vreg.gather [hbm4b:s2+s3], $0x80, v3, vm0, $0xb8;
	[tilespmem:$0x10100] =	vst v63  }
0xb6: {  	v3 =	vld [tilespmem:$0xF0];
	_ =	sdelay $0x4  }
0xb7: {  	v63 =	vshll.u32 v3, $0x1  }
0xb8: {  	v3 =	vand.u32 $0x7, v3;
	v4 =	vand.u32 $0xFFFFFFF0, v63  }
0xb9: {  	v3 =	vor.u32 v3, v4  }
0xba: {  	v4 =	vperm.xlane v3, v0;
	_ =	sdelay $0x1  }
0xbb: {  	v3 =	vperm.xlane v3, v2;
	v4 =	vadd.s32 v1, v4;
	_ =	sdelay $0x1  }
0xbc: {  	v3 =	vadd.s32 v1, v3;
	_ =	sdelay $0x2  }
0xbd: {  	[tilespmem:s30], [sflag:$0x1] =	stream.indirect_vreg.gather [hbm4b:s2+s3], $0x80, v4, vm0, $0xb8;
	[tilespmem:$0x10100] =	vst v63  }
0xbe: {  	_ = 	snop  }
0xbf: {  	[tilespmem:s31], [sflag:$0x1] =	stream.indirect_vreg.gather [hbm4b:s2+s3], $0x80, v3, vm0, $0xb8;
	[tilespmem:$0x10100] =	vst v63  }
0xc0: {  	_ =	swait.ge [sflag:s1], $0x10000  }
0xc1: {  	p0 =	sne.s32 s4, $0x1;
	[sflag:s1] =	ssyncset.done $0x0  }
.Ltmp0:
0xc2: {  	s7 =	rddreg [dreg:$0x4];
	[sflag:s1] =	ssyncadd.s32 $0xFFFF0000;
	(pc) =	sbr.rel @p0 .LBB2_1-.Ltmp0, $4  }
0xc3: {  	[hbm4b:s7+s3] =	stream.linear.scatter [tilespmem:s6], [sflag:$0x2], $0x10000, $0x38;
	[tilespmem:$0x10100] =	vst v63  }
0xc4: {  	_ =	swait.ge [sflag:s5], $0x10000  }
0xc5: {  	[sflag:s5] =	ssyncset.done $0x0  }
0xc6: {  	s4 =	sadd.s32 $0xFFFFFFFF, s4;
	[sflag:s5] =	ssyncadd.s32 $0xFFFF0000  }
0xc7: {  	_ =	sfence.sel $0x180000  }
0xc8: {  	[bflag:$0x0] =	sbarrier.arrive $0xFFFF  }
0xc9: {  	_ =	strace $0x90000047  }
0xca: {  	s0 =	stileid.u32;
	[bflag:$0x2] =	sbarrier.arrive $0xFFFF  }
0xcb: {  	p0 =	sne.s32 s0, $0x0;
	s0 =	rddreg [dreg:$0x2]  }
0xcc: {  	s0 =	sadd.s32 @!p0 $0x100000, s0  }
0xcd: {  	[sflag:s0] =	ssyncadd.tile.s32 @!p0 $0x1;
	_ =	shalt  }
.Lfunc_end2:
_tile_overlayer_lowered:
.L_overlay_start_2:
0xce: {  	(tag) =	ssettag $0x2  }
0xcf: {  	s0 =	rddreg [dreg:$0x0];
	s2 =	stileid.u32  }
0xd0: {  	s1 =	rddreg [dreg:$0x1];
	p0 =	sne.s32 s2, $0x0  }
0xd1: {  	s3 =	rddreg [dreg:$0x2];
	[bflag:$0x3] =	sbarrier.arrive $0xFFFF;
	s2 =	simm.s32 @!p0 $0x1C02  }
0xd2: {  	[timem:s3], [sflag:s2] =	dma.local @!p0 [hbm:s0], s1  }
0xd3: {  	s0 =	simm.s32 @!p0 $0x2  }
0xd4: {  	_ =	swait.ge @!p0 [sflag:s0], s1  }
0xd5: {  	s1 =	ssub.s32 @!p0 $0x0, s1;
	[sflag:s0] =	ssyncset.done @!p0 $0x0  }
0xd6: {  	[sflag:s0] =	ssyncadd.s32 @!p0 s1  }
0xd7: {  	[bflag:$0x3] =	sbarrier.arrive $0xFFFF  }
0xd8: {  	_ =	shalt  }

</sc_bundles>
